<compile_context>
chip_gen: v7x
topology: tpu7x:2x2x1
jax: 0.10.2.dev20260603
libtpu: 0.0.44.dev20260713+nightly
codegen_flags: <defaults>
</compile_context>

<pallas_src>
import functools

import jax
import jax.numpy as jnp
from jax import lax
from jax.experimental import pallas as pl
from jax.experimental.pallas import tpu as pltpu
from jax.experimental.pallas import tpu_sc as plsc

B, S, D = 4, 2048, 256
H, DH, DFF = 8, 32, 1024
K = S // 2
NEG = -1e9
NC, NS = 2, 16
NW = NC * NS


def _route_kernel(x_ref, am_ref, wr_ref, br_ref,
                  idx_ref, u_ref, wc_ref, amc_ref, cnt_ref):
    x = x_ref[0]
    am = am_ref[0]
    b = pl.program_id(0)

    w_col = jnp.dot(x, wr_ref[...], preferred_element_type=jnp.float32) + br_ref[0, 0]
    w_row = w_col.T

    counts_col = jnp.sum((w_row >= w_col).astype(jnp.float32), axis=1, keepdims=True)
    sel_col = counts_col <= float(K - 1)
    sel_row = sel_col.T
    cnt = jnp.sum(sel_col.astype(jnp.float32), axis=0, keepdims=True)

    iota_col = jax.lax.broadcasted_iota(jnp.int32, (S, 1), 0)
    iota_row = jax.lax.broadcasted_iota(jnp.int32, (1, S), 1)
    r_col = jnp.sum(jnp.where(sel_row & (iota_row < iota_col), 1.0, 0.0),
                    axis=1, keepdims=True)

    slot_row = jax.lax.broadcasted_iota(jnp.int32, (1, K), 1).astype(jnp.float32)
    m3 = jnp.where((r_col == slot_row) & sel_col, 1.0, 0.0)

    hi = jax.lax.Precision.HIGHEST
    iota_row_f = iota_row.astype(jnp.float32)
    idx_row = jnp.dot(iota_row_f, m3, preferred_element_type=jnp.float32,
                      precision=hi)
    wc_row = jnp.dot(w_row, m3, preferred_element_type=jnp.float32,
                     precision=hi)
    amc_row = jnp.dot(am, m3, preferred_element_type=jnp.float32,
                      precision=hi)

    idx_ref[0] = idx_row.astype(jnp.int32) + b * S
    b_f = (b * K).astype(jnp.float32)
    base_x = (B * K + b * S)
    u_colf = jnp.where(sel_col, r_col + b_f,
                       float(0) + base_x.astype(jnp.float32) + iota_col.astype(jnp.float32))
    u_ref[0] = u_colf.T.astype(jnp.int32)
    wc_ref[0] = wc_row
    amc_ref[0] = amc_row
    cnt_ref[0] = cnt


def _block_kernel(xc_ref, wc_ref, amc_ref, cnt_ref, ln1g_ref, ln1b_ref,
                  wq_ref, bq_ref, wk_ref, bk_ref, wv_ref, bv_ref,
                  wo_ref, bo_ref, ln2g_ref, ln2b_ref,
                  w1_ref, b1_ref, w2_ref, b2_ref, val_ref):
    xc = xc_ref[0]
    wc_row = wc_ref[0]
    amc = amc_ref[0]
    cnt = cnt_ref[0, 0, 0]

    slot_row = jax.lax.broadcasted_iota(jnp.int32, (1, K), 1).astype(jnp.float32)
    slot_col = jax.lax.broadcasted_iota(jnp.int32, (K, 1), 0).astype(jnp.float32)
    key_bias = jnp.where(slot_row < cnt, amc, NEG)

    mu = jnp.mean(xc, axis=-1, keepdims=True)
    var = jnp.mean((xc - mu) ** 2, axis=-1, keepdims=True)
    h = (xc - mu) * jax.lax.rsqrt(var + 1e-5) * ln1g_ref[...] + ln1b_ref[...]

    q = jnp.dot(h, wq_ref[...], preferred_element_type=jnp.float32) + bq_ref[...]
    k = jnp.dot(h, wk_ref[...], preferred_element_type=jnp.float32) + bk_ref[...]
    v = jnp.dot(h, wv_ref[...], preferred_element_type=jnp.float32) + bv_ref[...]

    scale = 1.0 / (DH ** 0.5)
    head_outs = []
    for hh in range(H):
        lo = hh * DH
        qh = q[:, lo:lo + DH]
        kh = k[:, lo:lo + DH]
        vh = v[:, lo:lo + DH]
        scores = jax.lax.dot_general(
            qh, kh, (((1,), (1,)), ((), ())),
            preferred_element_type=jnp.float32) * scale + key_bias
        p = jnp.exp(scores)
        l = jnp.sum(p, axis=-1, keepdims=True)
        pv = jnp.dot(p, vh, preferred_element_type=jnp.float32)
        head_outs.append(pv / l)
    attn = jnp.concatenate(head_outs, axis=1)

    x1 = xc + jnp.dot(attn, wo_ref[...], preferred_element_type=jnp.float32) + bo_ref[...]

    mu2 = jnp.mean(x1, axis=-1, keepdims=True)
    var2 = jnp.mean((x1 - mu2) ** 2, axis=-1, keepdims=True)
    h2 = (x1 - mu2) * jax.lax.rsqrt(var2 + 1e-5) * ln2g_ref[...] + ln2b_ref[...]
    mid = jax.nn.gelu(jnp.dot(h2, w1_ref[...], preferred_element_type=jnp.float32)
                      + b1_ref[...])
    blk = x1 + jnp.dot(mid, w2_ref[...], preferred_element_type=jnp.float32) + b2_ref[...]

    wc_col = wc_row.T
    val_ref[0] = xc + jnp.where(slot_col < cnt, blk * wc_col, 0.0)


def _make_sc_row_gather(n_out, d):
    bw = n_out // NW
    mesh = plsc.VectorSubcoreMesh(core_axis_name="c", subcore_axis_name="s")

    @functools.partial(
        pl.kernel, mesh=mesh,
        out_type=jax.ShapeDtypeStruct((n_out, d), jnp.float32),
        scratch_types=[
            pltpu.VMEM((bw,), jnp.int32),
            pltpu.VMEM((bw, d), jnp.float32),
            pltpu.SemaphoreType.DMA,
        ],
    )
    def gather(table_hbm, idx_hbm, out_hbm, idx_v, rows_v, sem):
        wid = lax.axis_index("s") * NC + lax.axis_index("c")
        base = wid * bw
        pltpu.sync_copy(idx_hbm.at[pl.ds(base, bw)], idx_v)
        pltpu.async_copy(table_hbm.at[idx_v], rows_v, sem).wait()
        pltpu.sync_copy(rows_v, out_hbm.at[pl.ds(base, bw)])

    return gather


_sc_gather_cache = {}


def _sc_gather(table, idx, n_out):
    if n_out not in _sc_gather_cache:
        _sc_gather_cache[n_out] = _make_sc_row_gather(n_out, D)
    return _sc_gather_cache[n_out](table, idx)


@jax.jit
def kernel(x, attention_mask, Wr, br, ln1_g, ln1_b, Wq, bq, Wk, bk, Wv, bv,
           Wo, bo, ln2_g, ln2_b, W1, b1, W2, b2):
    am = attention_mask.reshape(B, 1, S)
    full = lambda shp: pl.BlockSpec(shp, lambda b: (0,) * len(shp))
    row2 = lambda arr: arr.reshape(1, -1)

    idxg, ug, wc, amc, cnt = pl.pallas_call(
        _route_kernel,
        grid=(B,),
        in_specs=[
            pl.BlockSpec((1, S, D), lambda b: (b, 0, 0)),
            pl.BlockSpec((1, 1, S), lambda b: (b, 0, 0)),
            full((D, 1)), full((1, 1)),
        ],
        out_specs=[
            pl.BlockSpec((1, 1, K), lambda b: (b, 0, 0)),
            pl.BlockSpec((1, 1, S), lambda b: (b, 0, 0)),
            pl.BlockSpec((1, 1, K), lambda b: (b, 0, 0)),
            pl.BlockSpec((1, 1, K), lambda b: (b, 0, 0)),
            pl.BlockSpec((1, 1, 1), lambda b: (b, 0, 0)),
        ],
        out_shape=[
            jax.ShapeDtypeStruct((B, 1, K), jnp.int32),
            jax.ShapeDtypeStruct((B, 1, S), jnp.int32),
            jax.ShapeDtypeStruct((B, 1, K), jnp.float32),
            jax.ShapeDtypeStruct((B, 1, K), jnp.float32),
            jax.ShapeDtypeStruct((B, 1, 1), jnp.float32),
        ],
    )(x, am, Wr, br.reshape(1, 1))

    x2d = x.reshape(B * S, D)
    xc2d = _sc_gather(x2d, idxg.reshape(B * K), B * K)
    xc = xc2d.reshape(B, K, D)

    val = pl.pallas_call(
        _block_kernel,
        grid=(B,),
        in_specs=[
            pl.BlockSpec((1, K, D), lambda b: (b, 0, 0)),
            pl.BlockSpec((1, 1, K), lambda b: (b, 0, 0)),
            pl.BlockSpec((1, 1, K), lambda b: (b, 0, 0)),
            pl.BlockSpec((1, 1, 1), lambda b: (b, 0, 0)),
            full((1, D)), full((1, D)),
            full((D, D)), full((1, D)),
            full((D, D)), full((1, D)),
            full((D, D)), full((1, D)),
            full((D, D)), full((1, D)),
            full((1, D)), full((1, D)),
            full((D, DFF)), full((1, DFF)),
            full((DFF, D)), full((1, D)),
        ],
        out_specs=pl.BlockSpec((1, K, D), lambda b: (b, 0, 0)),
        out_shape=jax.ShapeDtypeStruct((B, K, D), jnp.float32),
    )(xc, wc, amc, cnt, row2(ln1_g), row2(ln1_b),
      Wq, row2(bq), Wk, row2(bk), Wv, row2(bv), Wo, row2(bo),
      row2(ln2_g), row2(ln2_b), W1, row2(b1), W2, row2(b2))

    table = jnp.concatenate([val.reshape(B * K, D), x2d], axis=0)
    out2d = _sc_gather(table, ug.reshape(B * S), B * S)
    return out2d.reshape(B, S, D)

# --- scband reference (transcript-rebuilt; emitter-appended) ---
"""Pipeline reference for scband-dm-fixed-k-44504451121741 (READ-ONLY COPY).

The authoritative reference and input builder live on the scoring server;
editing this copy changes nothing except your own understanding.
"""

import jax, jax.numpy as jnp
import numpy as np

B, S, D = 4, 2048, 256
H, DH, DFF = 8, 32, 1024
CAPACITY = 0.5


def _ln(x, g, b):
    m = jnp.mean(x, axis=-1, keepdims=True)
    v = jnp.mean((x - m) ** 2, axis=-1, keepdims=True)
    return (x - m) / jnp.sqrt(v + 1e-5) * g + b


def _block(x, key_bias, p):
    # GPT-style pre-LN transformer block standing in for the injected `block`.
    b, s, d = x.shape
    h = _ln(x, p['ln1_g'], p['ln1_b'])
    q = (h @ p['Wq'] + p['bq']).reshape(b, s, H, DH).transpose(0, 2, 1, 3)
    k = (h @ p['Wk'] + p['bk']).reshape(b, s, H, DH).transpose(0, 2, 1, 3)
    v = (h @ p['Wv'] + p['bv']).reshape(b, s, H, DH).transpose(0, 2, 1, 3)
    scores = q @ k.transpose(0, 1, 3, 2) / jnp.sqrt(jnp.float32(DH)) + key_bias
    a = jax.nn.softmax(scores, axis=-1)
    attn = (a @ v).transpose(0, 2, 1, 3).reshape(b, s, d) @ p['Wo'] + p['bo']
    x1 = x + attn
    h2 = _ln(x1, p['ln2_g'], p['ln2_b'])
    mlp = jax.nn.gelu(h2 @ p['W1'] + p['b1']) @ p['W2'] + p['b2']
    return x1 + mlp


def setup_inputs(seed: int = 0):
    key = jax.random.key(seed)
    ks = jax.random.split(key, 12)
    sc = 0.02
    return {
        'x': jax.random.normal(ks[0], (B, S, D), jnp.float32),
        'attention_mask': jnp.zeros((B, 1, 1, S), jnp.float32),
        'Wr': jax.random.normal(ks[1], (D, 1), jnp.float32) * sc,
        'br': jnp.zeros((1,), jnp.float32),
        'ln1_g': jnp.ones((D,), jnp.float32),
        'ln1_b': jnp.zeros((D,), jnp.float32),
        'Wq': jax.random.normal(ks[2], (D, D), jnp.float32) * sc,
        'bq': jnp.zeros((D,), jnp.float32),
        'Wk': jax.random.normal(ks[3], (D, D), jnp.float32) * sc,
        'bk': jnp.zeros((D,), jnp.float32),
        'Wv': jax.random.normal(ks[4], (D, D), jnp.float32) * sc,
        'bv': jnp.zeros((D,), jnp.float32),
        'Wo': jax.random.normal(ks[5], (D, D), jnp.float32) * sc,
        'bo': jnp.zeros((D,), jnp.float32),
        'ln2_g': jnp.ones((D,), jnp.float32),
        'ln2_b': jnp.zeros((D,), jnp.float32),
        'W1': jax.random.normal(ks[6], (D, DFF), jnp.float32) * sc,
        'b1': jnp.zeros((DFF,), jnp.float32),
        'W2': jax.random.normal(ks[7], (DFF, D), jnp.float32) * sc,
        'b2': jnp.zeros((D,), jnp.float32),
    }


def reference(x, attention_mask, Wr, br, ln1_g, ln1_b, Wq, bq, Wk, bk, Wv, bv, Wo, bo, ln2_g, ln2_b, W1, b1, W2, b2):
    # Training branch of DM_fixed_k with fixed k = capacity * s.
    p = dict(ln1_g=ln1_g, ln1_b=ln1_b, Wq=Wq, bq=bq, Wk=Wk, bk=bk, Wv=Wv, bv=bv,
             Wo=Wo, bo=bo, ln2_g=ln2_g, ln2_b=ln2_b, W1=W1, b1=b1, W2=W2, b2=b2)
    b, s, d = x.shape
    weights = (x.astype(jnp.float32) @ Wr + br)[..., 0]  # Router.forward
    k = max(1, int(CAPACITY * s))
    top_k_values, _ = jax.lax.top_k(weights, k)
    threshold = top_k_values[:, -1]
    selected_mask = weights > threshold[:, None]  # k > 1 path (strict >)
    # Per-row compacted block call == full-seq block with non-selected keys masked out,
    # since LN/MLP are per-token and attention only mixes across keys.
    key_bias = jnp.where(selected_mask[:, None, None, :], attention_mask, jnp.float32(-1e9))
    blk_out = _block(x, key_bias, p)
    processed = blk_out * weights[..., None]
    processed_tokens = jnp.where(selected_mask[..., None], processed, jnp.float32(0.0))
    output = processed_tokens + x
    return output

if __name__ == "__main__":
    import jax
    _d = setup_inputs()
    print(jax.jit(kernel)(*tuple(_d.values())))

</pallas_src>

<mosaic_0001>
#map = affine_map<(d0, d1) -> (0, 0)>
#map1 = affine_map<(d0, d1) -> (0)>
module attributes {stable_mosaic.version = 14 : i64} {
  func.func @gather(%arg0: i32, %arg1: i32, %arg2: memref<8192x256xf32, #tpu.memory_space<hbm>>, %arg3: memref<4096xi32, #tpu.memory_space<hbm>>, %arg4: memref<4096x256xf32, #tpu.memory_space<hbm>>, %arg5: memref<128xi32, #tpu.memory_space<vmem>>, %arg6: memref<128x256xf32, #tpu.memory_space<vmem>>, %arg7: memref<!tpu.dma_semaphore, #tpu.memory_space<semaphore_mem>>) attributes {dimension_semantics = [#tpu.dimension_semantics<core_parallel>, #tpu.dimension_semantics<subcore_parallel>], iteration_bounds = array<i64: 2, 16>, scalar_prefetch = 0 : i64, scratch_operands = 3 : i64, tpu.core_type = #tpu.core_type<sc_vector_subcore>, window_params = [{transform_indices = #map}, {transform_indices = #map1}, {transform_indices = #map}]} {
    %mul3A = arith.constant 2 : i32
    %mul3A_0 = arith.muli %arg1, %mul3A : i32
    %add3A = arith.addi %mul3A_0, %arg0 : i32
    %mul3A_1 = arith.constant 128 : i32
    %mul3A_2 = arith.muli %add3A, %mul3A_1 : i32
    "tpu.region"() ({
      %run_scoped3A = tpu.sem_alloc : memref<!tpu.dma_semaphore, #tpu.memory_space<semaphore_mem>>
      %dma_start3A_7 = tpu.memref_slice %arg3[%mul3A_2] : memref<4096xi32, #tpu.memory_space<hbm>> -> memref<128xi32, #tpu.memory_space<hbm>>
      %dma_start3A_8 = tpu.memref_slice %arg3[%mul3A_2] : memref<4096xi32, #tpu.memory_space<hbm>> -> memref<128xi32, #tpu.memory_space<hbm>>
      tpu.enqueue_dma source(%dma_start3A_8 : memref<128xi32, #tpu.memory_space<hbm>>) target(%arg5 : memref<128xi32, #tpu.memory_space<vmem>>) target_semaphore(%run_scoped3A : memref<!tpu.dma_semaphore, #tpu.memory_space<semaphore_mem>>)
      %dma_wait3A_9 = tpu.memref_slice %arg3[%mul3A_2] : memref<4096xi32, #tpu.memory_space<hbm>> -> memref<128xi32, #tpu.memory_space<hbm>>
      %dma_wait3A_10 = tpu.memref_slice %arg3[%mul3A_2] : memref<4096xi32, #tpu.memory_space<hbm>> -> memref<128xi32, #tpu.memory_space<hbm>>
      tpu.wait_dma2 semaphore(%run_scoped3A : memref<!tpu.dma_semaphore, #tpu.memory_space<semaphore_mem>>) src(%dma_wait3A_10 : memref<128xi32, #tpu.memory_space<hbm>>) dst(%arg5 : memref<128xi32, #tpu.memory_space<vmem>>)
      tpu.yield
    }) : () -> ()
    %dma_start3A = arith.constant 0 : i32
    %dma_start3A_3 = arith.constant 0 : i32
    %dma_start3A_4 = tpu.memref_slice %arg2[%dma_start3A, %dma_start3A_3] : memref<8192x256xf32, #tpu.memory_space<hbm>> -> memref<8192x256xf32, #tpu.memory_space<hbm>>
    tpu.enqueue_indirect_dma source(%dma_start3A_4 : memref<8192x256xf32, #tpu.memory_space<hbm>>) target(%arg6 : memref<128x256xf32, #tpu.memory_space<vmem>>) offsets(%arg5 : memref<128xi32, #tpu.memory_space<vmem>>) semaphore(%arg7 : memref<!tpu.dma_semaphore, #tpu.memory_space<semaphore_mem>>)
    %dma_wait3A = arith.constant 0 : i32
    %dma_wait3A_5 = arith.constant 0 : i32
    %dma_wait3A_6 = tpu.memref_slice %arg2[%dma_wait3A, %dma_wait3A_5] : memref<8192x256xf32, #tpu.memory_space<hbm>> -> memref<8192x256xf32, #tpu.memory_space<hbm>>
    tpu.wait_indirect_dma semaphore(%arg7 : memref<!tpu.dma_semaphore, #tpu.memory_space<semaphore_mem>>) src(%dma_wait3A_6 : memref<8192x256xf32, #tpu.memory_space<hbm>>) dst(%arg6 : memref<128x256xf32, #tpu.memory_space<vmem>>)
    "tpu.region"() ({
      %run_scoped3A = tpu.sem_alloc : memref<!tpu.dma_semaphore, #tpu.memory_space<semaphore_mem>>
      %dma_start3A_7 = arith.constant 0 : i32
      %dma_start3A_8 = tpu.memref_slice %arg4[%mul3A_2, %dma_start3A_7] : memref<4096x256xf32, #tpu.memory_space<hbm>> -> memref<128x256xf32, #tpu.memory_space<hbm>>
      %dma_start3A_9 = arith.constant 0 : i32
      %dma_start3A_10 = tpu.memref_slice %arg4[%mul3A_2, %dma_start3A_9] : memref<4096x256xf32, #tpu.memory_space<hbm>> -> memref<128x256xf32, #tpu.memory_space<hbm>>
      tpu.enqueue_dma source(%arg6 : memref<128x256xf32, #tpu.memory_space<vmem>>) target(%dma_start3A_10 : memref<128x256xf32, #tpu.memory_space<hbm>>) target_semaphore(%run_scoped3A : memref<!tpu.dma_semaphore, #tpu.memory_space<semaphore_mem>>)
      %dma_wait3A_11 = arith.constant 0 : i32
      %dma_wait3A_12 = tpu.memref_slice %arg4[%mul3A_2, %dma_wait3A_11] : memref<4096x256xf32, #tpu.memory_space<hbm>> -> memref<128x256xf32, #tpu.memory_space<hbm>>
      %dma_wait3A_13 = arith.constant 0 : i32
      %dma_wait3A_14 = tpu.memref_slice %arg4[%mul3A_2, %dma_wait3A_13] : memref<4096x256xf32, #tpu.memory_space<hbm>> -> memref<128x256xf32, #tpu.memory_space<hbm>>
      tpu.wait_dma2 semaphore(%run_scoped3A : memref<!tpu.dma_semaphore, #tpu.memory_space<semaphore_mem>>) src(%arg6 : memref<128x256xf32, #tpu.memory_space<vmem>>) dst(%dma_wait3A_14 : memref<128x256xf32, #tpu.memory_space<hbm>>)
      tpu.yield
    }) : () -> ()
    return
  }
}

#map = affine_map<(d0, d1) -> (0, 0)>
#map1 = affine_map<(d0, d1) -> (0)>
module attributes {stable_mosaic.version = 14 : i64} {
  func.func @gather(%arg0: i32, %arg1: i32, %arg2: memref<12288x256xf32, #tpu.memory_space<hbm>>, %arg3: memref<8192xi32, #tpu.memory_space<hbm>>, %arg4: memref<8192x256xf32, #tpu.memory_space<hbm>>, %arg5: memref<256xi32, #tpu.memory_space<vmem>>, %arg6: memref<256x256xf32, #tpu.memory_space<vmem>>, %arg7: memref<!tpu.dma_semaphore, #tpu.memory_space<semaphore_mem>>) attributes {dimension_semantics = [#tpu.dimension_semantics<core_parallel>, #tpu.dimension_semantics<subcore_parallel>], iteration_bounds = array<i64: 2, 16>, scalar_prefetch = 0 : i64, scratch_operands = 3 : i64, tpu.core_type = #tpu.core_type<sc_vector_subcore>, window_params = [{transform_indices = #map}, {transform_indices = #map1}, {transform_indices = #map}]} {
    %mul3A = arith.constant 2 : i32
    %mul3A_0 = arith.muli %arg1, %mul3A : i32
    %add3A = arith.addi %mul3A_0, %arg0 : i32
    %mul3A_1 = arith.constant 256 : i32
    %mul3A_2 = arith.muli %add3A, %mul3A_1 : i32
    "tpu.region"() ({
      %run_scoped3A = tpu.sem_alloc : memref<!tpu.dma_semaphore, #tpu.memory_space<semaphore_mem>>
      %dma_start3A_7 = tpu.memref_slice %arg3[%mul3A_2] : memref<8192xi32, #tpu.memory_space<hbm>> -> memref<256xi32, #tpu.memory_space<hbm>>
      %dma_start3A_8 = tpu.memref_slice %arg3[%mul3A_2] : memref<8192xi32, #tpu.memory_space<hbm>> -> memref<256xi32, #tpu.memory_space<hbm>>
      tpu.enqueue_dma source(%dma_start3A_8 : memref<256xi32, #tpu.memory_space<hbm>>) target(%arg5 : memref<256xi32, #tpu.memory_space<vmem>>) target_semaphore(%run_scoped3A : memref<!tpu.dma_semaphore, #tpu.memory_space<semaphore_mem>>)
      %dma_wait3A_9 = tpu.memref_slice %arg3[%mul3A_2] : memref<8192xi32, #tpu.memory_space<hbm>> -> memref<256xi32, #tpu.memory_space<hbm>>
      %dma_wait3A_10 = tpu.memref_slice %arg3[%mul3A_2] : memref<8192xi32, #tpu.memory_space<hbm>> -> memref<256xi32, #tpu.memory_space<hbm>>
      tpu.wait_dma2 semaphore(%run_scoped3A : memref<!tpu.dma_semaphore, #tpu.memory_space<semaphore_mem>>) src(%dma_wait3A_10 : memref<256xi32, #tpu.memory_space<hbm>>) dst(%arg5 : memref<256xi32, #tpu.memory_space<vmem>>)
      tpu.yield
    }) : () -> ()
    %dma_start3A = arith.constant 0 : i32
    %dma_start3A_3 = arith.constant 0 : i32
    %dma_start3A_4 = tpu.memref_slice %arg2[%dma_start3A, %dma_start3A_3] : memref<12288x256xf32, #tpu.memory_space<hbm>> -> memref<12288x256xf32, #tpu.memory_space<hbm>>
    tpu.enqueue_indirect_dma source(%dma_start3A_4 : memref<12288x256xf32, #tpu.memory_space<hbm>>) target(%arg6 : memref<256x256xf32, #tpu.memory_space<vmem>>) offsets(%arg5 : memref<256xi32, #tpu.memory_space<vmem>>) semaphore(%arg7 : memref<!tpu.dma_semaphore, #tpu.memory_space<semaphore_mem>>)
    %dma_wait3A = arith.constant 0 : i32
    %dma_wait3A_5 = arith.constant 0 : i32
    %dma_wait3A_6 = tpu.memref_slice %arg2[%dma_wait3A, %dma_wait3A_5] : memref<12288x256xf32, #tpu.memory_space<hbm>> -> memref<12288x256xf32, #tpu.memory_space<hbm>>
    tpu.wait_indirect_dma semaphore(%arg7 : memref<!tpu.dma_semaphore, #tpu.memory_space<semaphore_mem>>) src(%dma_wait3A_6 : memref<12288x256xf32, #tpu.memory_space<hbm>>) dst(%arg6 : memref<256x256xf32, #tpu.memory_space<vmem>>)
    "tpu.region"() ({
      %run_scoped3A = tpu.sem_alloc : memref<!tpu.dma_semaphore, #tpu.memory_space<semaphore_mem>>
      %dma_start3A_7 = arith.constant 0 : i32
      %dma_start3A_8 = tpu.memref_slice %arg4[%mul3A_2, %dma_start3A_7] : memref<8192x256xf32, #tpu.memory_space<hbm>> -> memref<256x256xf32, #tpu.memory_space<hbm>>
      %dma_start3A_9 = arith.constant 0 : i32
      %dma_start3A_10 = tpu.memref_slice %arg4[%mul3A_2, %dma_start3A_9] : memref<8192x256xf32, #tpu.memory_space<hbm>> -> memref<256x256xf32, #tpu.memory_space<hbm>>
      tpu.enqueue_dma source(%arg6 : memref<256x256xf32, #tpu.memory_space<vmem>>) target(%dma_start3A_10 : memref<256x256xf32, #tpu.memory_space<hbm>>) target_semaphore(%run_scoped3A : memref<!tpu.dma_semaphore, #tpu.memory_space<semaphore_mem>>)
      %dma_wait3A_11 = arith.constant 0 : i32
      %dma_wait3A_12 = tpu.memref_slice %arg4[%mul3A_2, %dma_wait3A_11] : memref<8192x256xf32, #tpu.memory_space<hbm>> -> memref<256x256xf32, #tpu.memory_space<hbm>>
      %dma_wait3A_13 = arith.constant 0 : i32
      %dma_wait3A_14 = tpu.memref_slice %arg4[%mul3A_2, %dma_wait3A_13] : memref<8192x256xf32, #tpu.memory_space<hbm>> -> memref<256x256xf32, #tpu.memory_space<hbm>>
      tpu.wait_dma2 semaphore(%run_scoped3A : memref<!tpu.dma_semaphore, #tpu.memory_space<semaphore_mem>>) src(%arg6 : memref<256x256xf32, #tpu.memory_space<vmem>>) dst(%dma_wait3A_14 : memref<256x256xf32, #tpu.memory_space<hbm>>)
      tpu.yield
    }) : () -> ()
    return
  }
}

module attributes {stable_mosaic.version = 14 : i64} {
  func.func @_route_kernel(%arg0: i32, %arg1: memref<1x2048x256xf32, #tpu.memory_space<vmem>>, %arg2: memref<1x1x2048xf32, #tpu.memory_space<vmem>>, %arg3: memref<256x1xf32, #tpu.memory_space<vmem>>, %arg4: memref<1x1xf32, #tpu.memory_space<vmem>>, %arg5: memref<1x1x1024xi32, #tpu.memory_space<vmem>>, %arg6: memref<1x1x2048xi32, #tpu.memory_space<vmem>>, %arg7: memref<1x1x1024xf32, #tpu.memory_space<vmem>>, %arg8: memref<1x1x1024xf32, #tpu.memory_space<vmem>>, %arg9: memref<1x1x1xf32, #tpu.memory_space<vmem>>) attributes {dimension_semantics = [#tpu.dimension_semantics<arbitrary>], iteration_bounds = array<i64: 4>, scalar_prefetch = 0 : i64, scratch_operands = 0 : i64, tpu.core_type = #tpu.core_type<tc>, window_params = [{transform_indices = @transform_0, window_bounds = array<i64: 1, 2048, 256>}, {transform_indices = @transform_1, window_bounds = array<i64: 1, 1, 2048>}, {pipeline_mode = #tpu.pipeline_mode<synchronous>, transform_indices = @transform_2, window_bounds = array<i64: 256, 1>}, {pipeline_mode = #tpu.pipeline_mode<synchronous>, transform_indices = @transform_3, window_bounds = array<i64: 1, 1>}, {transform_indices = @transform_4, window_bounds = array<i64: 1, 1, 1024>}, {transform_indices = @transform_5, window_bounds = array<i64: 1, 1, 2048>}, {transform_indices = @transform_6, window_bounds = array<i64: 1, 1, 1024>}, {transform_indices = @transform_7, window_bounds = array<i64: 1, 1, 1024>}, {transform_indices = @transform_8, window_bounds = array<i64: 1, 1, 1>}]} {
    %get3A = arith.constant 0 : index
    %get3A_0 = arith.constant 0 : index
    %get3A_1 = arith.constant 0 : index
    %get3A_2 = vector.load %arg1[%get3A, %get3A_0, %get3A_1] : memref<1x2048x256xf32, #tpu.memory_space<vmem>>, vector<1x2048x256xf32>
    %get3A_3 = vector.shape_cast %get3A_2 : vector<1x2048x256xf32> to vector<2048x256xf32>
    %get3A_4 = arith.constant 0 : index
    %get3A_5 = arith.constant 0 : index
    %get3A_6 = arith.constant 0 : index
    %get3A_7 = vector.load %arg2[%get3A_4, %get3A_5, %get3A_6] : memref<1x1x2048xf32, #tpu.memory_space<vmem>>, vector<1x1x2048xf32>
    %get3A_8 = vector.shape_cast %get3A_7 : vector<1x1x2048xf32> to vector<1x2048xf32>
    %get3A_9 = arith.constant 0 : index
    %get3A_10 = arith.constant 0 : index
    %get3A_11 = vector.load %arg3[%get3A_9, %get3A_10] : memref<256x1xf32, #tpu.memory_space<vmem>>, vector<256x1xf32>
    %dot_general3A = arith.constant dense<0.000000e+00> : vector<2048x1xf32>
    %dot_general3A_12 = tpu.matmul %get3A_3, %get3A_11, %dot_general3A {dimension_numbers = #tpu.dot_dimension_numbers<[1], [0], [0], [1], [0, 0, 1, 1], [], []>, transpose_lhs_hint = false} : vector<2048x256xf32>, vector<256x1xf32>, vector<2048x1xf32> -> vector<2048x1xf32>
    %get3A_13 = arith.constant 0 : index
    %get3A_14 = arith.constant 0 : index
    %get3A_15 = vector.load %arg4[%get3A_13, %get3A_14] : memref<1x1xf32, #tpu.memory_space<vmem>>, vector<1x1xf32>
    %get3A_16 = vector.extract %get3A_15[0, 0] : f32 from vector<1x1xf32>
    %add3A = vector.broadcast %get3A_16 : f32 to vector<2048x1xf32>
    %add3A_17 = arith.addf %dot_general3A_12, %add3A : vector<2048x1xf32>
    %transpose3A = tpu.transpose %add3A_17, [1, 0] : vector<2048x1xf32> -> vector<1x2048xf32>
    %ge3A = vector.broadcast %transpose3A : vector<1x2048xf32> to vector<2048x2048xf32>
    %ge3A_18 = vector.broadcast %add3A_17 : vector<2048x1xf32> to vector<2048x2048xf32>
    %ge3A_19 = arith.cmpf oge, %ge3A, %ge3A_18 : vector<2048x2048xf32>
    %convert_element_type3A = arith.extui %ge3A_19 : vector<2048x2048xi1> to vector<2048x2048xi32>
    %convert_element_type3A_20 = arith.sitofp %convert_element_type3A : vector<2048x2048xi32> to vector<2048x2048xf32>
    %reduce_sum3A = arith.constant dense<0.000000e+00> : vector<2048xf32>
    %reduce_sum3A_21 = vector.multi_reduction <add>, %convert_element_type3A_20, %reduce_sum3A [1] : vector<2048x2048xf32> to vector<2048xf32>
    %broadcast_in_dim3A = vector.shape_cast %reduce_sum3A_21 : vector<2048xf32> to vector<2048x1xf32>
    %le3A = arith.constant 1.023000e+03 : f32
    %le3A_22 = vector.broadcast %le3A : f32 to vector<2048x1xf32>
    %le3A_23 = arith.cmpf ole, %broadcast_in_dim3A, %le3A_22 : vector<2048x1xf32>
    %transpose3A_24 = tpu.transpose %le3A_23, [1, 0] : vector<2048x1xi1> -> vector<1x2048xi1>
    %convert_element_type3A_25 = arith.extui %le3A_23 : vector<2048x1xi1> to vector<2048x1xi32>
    %convert_element_type3A_26 = arith.sitofp %convert_element_type3A_25 : vector<2048x1xi32> to vector<2048x1xf32>
    %reduce_sum3A_27 = arith.constant dense<0.000000e+00> : vector<1xf32>
    %reduce_sum3A_28 = vector.multi_reduction <add>, %convert_element_type3A_26, %reduce_sum3A_27 [0] : vector<2048x1xf32> to vector<1xf32>
    %broadcast_in_dim3A_29 = vector.shape_cast %reduce_sum3A_28 : vector<1xf32> to vector<1x1xf32>
    %iota3A = tpu.iota {dimensions = array<i32: 0>} : vector<2048x1xi32>
    %iota3A_30 = tpu.iota {dimensions = array<i32: 1>} : vector<1x2048xi32>
    %lt3A = vector.broadcast %iota3A_30 : vector<1x2048xi32> to vector<2048x2048xi32>
    %lt3A_31 = vector.broadcast %iota3A : vector<2048x1xi32> to vector<2048x2048xi32>
    %lt3A_32 = arith.cmpi slt, %lt3A, %lt3A_31 : vector<2048x2048xi32>
    %and3A = vector.broadcast %transpose3A_24 : vector<1x2048xi1> to vector<2048x2048xi1>
    %and3A_33 = arith.andi %and3A, %lt3A_32 : vector<2048x2048xi1>
    %jit3A = arith.constant 1.000000e+00 : f32
    %jit3A_34 = arith.constant 0.000000e+00 : f32
    %broadcast_in_dim3A_35 = vector.broadcast %jit3A : f32 to vector<2048x2048xf32>
    %broadcast_in_dim3A_36 = vector.broadcast %jit3A_34 : f32 to vector<2048x2048xf32>
    %select_n3A = arith.select %and3A_33, %broadcast_in_dim3A_35, %broadcast_in_dim3A_36 : vector<2048x2048xi1>, vector<2048x2048xf32>
    %reduce_sum3A_37 = arith.constant dense<0.000000e+00> : vector<2048xf32>
    %reduce_sum3A_38 = vector.multi_reduction <add>, %select_n3A, %reduce_sum3A_37 [1] : vector<2048x2048xf32> to vector<2048xf32>
    %broadcast_in_dim3A_39 = vector.shape_cast %reduce_sum3A_38 : vector<2048xf32> to vector<2048x1xf32>
    %iota3A_40 = tpu.iota {dimensions = array<i32: 1>} : vector<1x1024xi32>
    %convert_element_type3A_41 = arith.sitofp %iota3A_40 : vector<1x1024xi32> to vector<1x1024xf32>
    %eq3A = vector.broadcast %broadcast_in_dim3A_39 : vector<2048x1xf32> to vector<2048x1024xf32>
    %eq3A_42 = vector.broadcast %convert_element_type3A_41 : vector<1x1024xf32> to vector<2048x1024xf32>
    %eq3A_43 = arith.cmpf oeq, %eq3A, %eq3A_42 : vector<2048x1024xf32>
    %and3A_44 = vector.broadcast %le3A_23 : vector<2048x1xi1> to vector<2048x1024xi1>
    %and3A_45 = arith.andi %eq3A_43, %and3A_44 : vector<2048x1024xi1>
    %jit3A_46 = arith.constant 1.000000e+00 : f32
    %jit3A_47 = arith.constant 0.000000e+00 : f32
    %broadcast_in_dim3A_48 = vector.broadcast %jit3A_46 : f32 to vector<2048x1024xf32>
    %broadcast_in_dim3A_49 = vector.broadcast %jit3A_47 : f32 to vector<2048x1024xf32>
    %select_n3A_50 = arith.select %and3A_45, %broadcast_in_dim3A_48, %broadcast_in_dim3A_49 : vector<2048x1024xi1>, vector<2048x1024xf32>
    %convert_element_type3A_51 = arith.sitofp %iota3A_30 : vector<1x2048xi32> to vector<1x2048xf32>
    %dot_general3A_52 = arith.constant dense<0.000000e+00> : vector<1x1024xf32>
    %dot_general3A_53 = tpu.matmul %convert_element_type3A_51, %select_n3A_50, %dot_general3A_52 {dimension_numbers = #tpu.dot_dimension_numbers<[1], [0], [0], [1], [0, 0, 1, 1], [], []>, precision = #tpu.contract_precision<fp32>, transpose_lhs_hint = false} : vector<1x2048xf32>, vector<2048x1024xf32>, vector<1x1024xf32> -> vector<1x1024xf32>
    %dot_general3A_54 = arith.constant dense<0.000000e+00> : vector<1x1024xf32>
    %dot_general3A_55 = tpu.matmul %transpose3A, %select_n3A_50, %dot_general3A_54 {dimension_numbers = #tpu.dot_dimension_numbers<[1], [0], [0], [1], [0, 0, 1, 1], [], []>, precision = #tpu.contract_precision<fp32>, transpose_lhs_hint = false} : vector<1x2048xf32>, vector<2048x1024xf32>, vector<1x1024xf32> -> vector<1x1024xf32>
    %dot_general3A_56 = arith.constant dense<0.000000e+00> : vector<1x1024xf32>
    %dot_general3A_57 = tpu.matmul %get3A_8, %select_n3A_50, %dot_general3A_56 {dimension_numbers = #tpu.dot_dimension_numbers<[1], [0], [0], [1], [0, 0, 1, 1], [], []>, precision = #tpu.contract_precision<fp32>, transpose_lhs_hint = false} : vector<1x2048xf32>, vector<2048x1024xf32>, vector<1x1024xf32> -> vector<1x1024xf32>
    %convert_element_type3A_58 = arith.fptosi %dot_general3A_53 : vector<1x1024xf32> to vector<1x1024xi32>
    %mul3A = arith.constant 2048 : i32
    %mul3A_59 = arith.muli %arg0, %mul3A : i32
    %add3A_60 = vector.broadcast %mul3A_59 : i32 to vector<1x1024xi32>
    %add3A_61 = arith.addi %convert_element_type3A_58, %add3A_60 : vector<1x1024xi32>
    %swap3A = arith.constant 0 : index
    %swap3A_62 = arith.constant 0 : index
    %swap3A_63 = arith.constant 0 : index
    %swap3A_64 = vector.load %arg5[%swap3A, %swap3A_62, %swap3A_63] : memref<1x1x1024xi32, #tpu.memory_space<vmem>>, vector<1x1x1024xi32>
    %swap3A_65 = vector.shape_cast %swap3A_64 : vector<1x1x1024xi32> to vector<1x1024xi32>
    %swap3A_66 = vector.shape_cast %add3A_61 : vector<1x1024xi32> to vector<1x1x1024xi32>
    tpu.vector_store %arg5[%swap3A, %swap3A_62, %swap3A_63], %swap3A_66 {strides = array<i32>} : memref<1x1x1024xi32, #tpu.memory_space<vmem>>, vector<1x1x1024xi32>,
    %mul3A_67 = arith.constant 1024 : i32
    %mul3A_68 = arith.muli %arg0, %mul3A_67 : i32
    %convert_element_type3A_69 = arith.sitofp %mul3A_68 : i32 to f32
    %mul3A_70 = arith.constant 2048 : i32
    %mul3A_71 = arith.muli %arg0, %mul3A_70 : i32
    %add3A_72 = arith.constant 4096 : i32
    %add3A_73 = arith.addi %add3A_72, %mul3A_71 : i32
    %add3A_74 = vector.broadcast %convert_element_type3A_69 : f32 to vector<2048x1xf32>
    %add3A_75 = arith.addf %broadcast_in_dim3A_39, %add3A_74 : vector<2048x1xf32>
    %convert_element_type3A_76 = arith.sitofp %add3A_73 : i32 to f32
    %add3A_77 = arith.constant 0.000000e+00 : f32
    %add3A_78 = arith.addf %add3A_77, %convert_element_type3A_76 : f32
    %convert_element_type3A_79 = arith.sitofp %iota3A : vector<2048x1xi32> to vector<2048x1xf32>
    %add3A_80 = vector.broadcast %add3A_78 : f32 to vector<2048x1xf32>
    %add3A_81 = arith.addf %add3A_80, %convert_element_type3A_79 : vector<2048x1xf32>
    %select_n3A_82 = arith.select %le3A_23, %add3A_75, %add3A_81 : vector<2048x1xi1>, vector<2048x1xf32>
    %transpose3A_83 = tpu.transpose %select_n3A_82, [1, 0] : vector<2048x1xf32> -> vector<1x2048xf32>
    %convert_element_type3A_84 = arith.fptosi %transpose3A_83 : vector<1x2048xf32> to vector<1x2048xi32>
    %swap3A_85 = arith.constant 0 : index
    %swap3A_86 = arith.constant 0 : index
    %swap3A_87 = arith.constant 0 : index
    %swap3A_88 = vector.load %arg6[%swap3A_85, %swap3A_86, %swap3A_87] : memref<1x1x2048xi32, #tpu.memory_space<vmem>>, vector<1x1x2048xi32>
    %swap3A_89 = vector.shape_cast %swap3A_88 : vector<1x1x2048xi32> to vector<1x2048xi32>
    %swap3A_90 = vector.shape_cast %convert_element_type3A_84 : vector<1x2048xi32> to vector<1x1x2048xi32>
    tpu.vector_store %arg6[%swap3A_85, %swap3A_86, %swap3A_87], %swap3A_90 {strides = array<i32>} : memref<1x1x2048xi32, #tpu.memory_space<vmem>>, vector<1x1x2048xi32>,
    %swap3A_91 = arith.constant 0 : index
    %swap3A_92 = arith.constant 0 : index
    %swap3A_93 = arith.constant 0 : index
    %swap3A_94 = vector.load %arg7[%swap3A_91, %swap3A_92, %swap3A_93] : memref<1x1x1024xf32, #tpu.memory_space<vmem>>, vector<1x1x1024xf32>
    %swap3A_95 = vector.shape_cast %swap3A_94 : vector<1x1x1024xf32> to vector<1x1024xf32>
    %swap3A_96 = vector.shape_cast %dot_general3A_55 : vector<1x1024xf32> to vector<1x1x1024xf32>
    tpu.vector_store %arg7[%swap3A_91, %swap3A_92, %swap3A_93], %swap3A_96 {strides = array<i32>} : memref<1x1x1024xf32, #tpu.memory_space<vmem>>, vector<1x1x1024xf32>,
    %swap3A_97 = arith.constant 0 : index
    %swap3A_98 = arith.constant 0 : index
    %swap3A_99 = arith.constant 0 : index
    %swap3A_100 = vector.load %arg8[%swap3A_97, %swap3A_98, %swap3A_99] : memref<1x1x1024xf32, #tpu.memory_space<vmem>>, vector<1x1x1024xf32>
    %swap3A_101 = vector.shape_cast %swap3A_100 : vector<1x1x1024xf32> to vector<1x1024xf32>
    %swap3A_102 = vector.shape_cast %dot_general3A_57 : vector<1x1024xf32> to vector<1x1x1024xf32>
    tpu.vector_store %arg8[%swap3A_97, %swap3A_98, %swap3A_99], %swap3A_102 {strides = array<i32>} : memref<1x1x1024xf32, #tpu.memory_space<vmem>>, vector<1x1x1024xf32>,
    %swap3A_103 = arith.constant 0 : index
    %swap3A_104 = arith.constant 0 : index
    %swap3A_105 = arith.constant 0 : index
    %swap3A_106 = vector.load %arg9[%swap3A_103, %swap3A_104, %swap3A_105] : memref<1x1x1xf32, #tpu.memory_space<vmem>>, vector<1x1x1xf32>
    %swap3A_107 = vector.shape_cast %swap3A_106 : vector<1x1x1xf32> to vector<1x1xf32>
    %swap3A_108 = vector.shape_cast %broadcast_in_dim3A_29 : vector<1x1xf32> to vector<1x1x1xf32>
    tpu.vector_store %arg9[%swap3A_103, %swap3A_104, %swap3A_105], %swap3A_108 {strides = array<i32>} : memref<1x1x1xf32, #tpu.memory_space<vmem>>, vector<1x1x1xf32>,
    return
  }
  func.func @transform_0(%arg0: i32) -> (i32, i32, i32) {
    %c0_i32 = arith.constant 0 : i32
    %c0_i32_0 = arith.constant 0 : i32
    %c0_i32_1 = arith.constant 0 : i32
    return %arg0, %c0_i32, %c0_i32_0 : i32, i32, i32
  }
  func.func @transform_1(%arg0: i32) -> (i32, i32, i32) {
    %c0_i32 = arith.constant 0 : i32
    %c0_i32_0 = arith.constant 0 : i32
    %c0_i32_1 = arith.constant 0 : i32
    return %arg0, %c0_i32, %c0_i32_0 : i32, i32, i32
  }
  func.func @transform_2(%arg0: i32) -> (i32, i32) {
    %c0_i32 = arith.constant 0 : i32
    %c0_i32_0 = arith.constant 0 : i32
    %c0_i32_1 = arith.constant 0 : i32
    return %c0_i32, %c0_i32_0 : i32, i32
  }
  func.func @transform_3(%arg0: i32) -> (i32, i32) {
    %c0_i32 = arith.constant 0 : i32
    %c0_i32_0 = arith.constant 0 : i32
    %c0_i32_1 = arith.constant 0 : i32
    return %c0_i32, %c0_i32_0 : i32, i32
  }
  func.func @transform_4(%arg0: i32) -> (i32, i32, i32) {
    %c0_i32 = arith.constant 0 : i32
    %c0_i32_0 = arith.constant 0 : i32
    %c0_i32_1 = arith.constant 0 : i32
    return %arg0, %c0_i32, %c0_i32_0 : i32, i32, i32
  }
  func.func @transform_5(%arg0: i32) -> (i32, i32, i32) {
    %c0_i32 = arith.constant 0 : i32
    %c0_i32_0 = arith.constant 0 : i32
    %c0_i32_1 = arith.constant 0 : i32
    return %arg0, %c0_i32, %c0_i32_0 : i32, i32, i32
  }
  func.func @transform_6(%arg0: i32) -> (i32, i32, i32) {
    %c0_i32 = arith.constant 0 : i32
    %c0_i32_0 = arith.constant 0 : i32
    %c0_i32_1 = arith.constant 0 : i32
    return %arg0, %c0_i32, %c0_i32_0 : i32, i32, i32
  }
  func.func @transform_7(%arg0: i32) -> (i32, i32, i32) {
    %c0_i32 = arith.constant 0 : i32
    %c0_i32_0 = arith.constant 0 : i32
    %c0_i32_1 = arith.constant 0 : i32
    return %arg0, %c0_i32, %c0_i32_0 : i32, i32, i32
  }
  func.func @transform_8(%arg0: i32) -> (i32, i32, i32) {
    %c0_i32 = arith.constant 0 : i32
    %c0_i32_0 = arith.constant 0 : i32
    %c0_i32_1 = arith.constant 0 : i32
    return %arg0, %c0_i32, %c0_i32_0 : i32, i32, i32
  }
}

module attributes {stable_mosaic.version = 14 : i64} {
  func.func @_block_kernel(%arg0: i32, %arg1: memref<1x1024x256xf32, #tpu.memory_space<vmem>>, %arg2: memref<1x1x1024xf32, #tpu.memory_space<vmem>>, %arg3: memref<1x1x1024xf32, #tpu.memory_space<vmem>>, %arg4: memref<1x1x1xf32, #tpu.memory_space<vmem>>, %arg5: memref<1x256xf32, #tpu.memory_space<vmem>>, %arg6: memref<1x256xf32, #tpu.memory_space<vmem>>, %arg7: memref<256x256xf32, #tpu.memory_space<vmem>>, %arg8: memref<1x256xf32, #tpu.memory_space<vmem>>, %arg9: memref<256x256xf32, #tpu.memory_space<vmem>>, %arg10: memref<1x256xf32, #tpu.memory_space<vmem>>, %arg11: memref<256x256xf32, #tpu.memory_space<vmem>>, %arg12: memref<1x256xf32, #tpu.memory_space<vmem>>, %arg13: memref<256x256xf32, #tpu.memory_space<vmem>>, %arg14: memref<1x256xf32, #tpu.memory_space<vmem>>, %arg15: memref<1x256xf32, #tpu.memory_space<vmem>>, %arg16: memref<1x256xf32, #tpu.memory_space<vmem>>, %arg17: memref<256x1024xf32, #tpu.memory_space<vmem>>, %arg18: memref<1x1024xf32, #tpu.memory_space<vmem>>, %arg19: memref<1024x256xf32, #tpu.memory_space<vmem>>, %arg20: memref<1x256xf32, #tpu.memory_space<vmem>>, %arg21: memref<1x1024x256xf32, #tpu.memory_space<vmem>>) attributes {dimension_semantics = [#tpu.dimension_semantics<arbitrary>], iteration_bounds = array<i64: 4>, scalar_prefetch = 0 : i64, scratch_operands = 0 : i64, tpu.core_type = #tpu.core_type<tc>, window_params = [{transform_indices = @transform_0, window_bounds = array<i64: 1, 1024, 256>}, {transform_indices = @transform_1, window_bounds = array<i64: 1, 1, 1024>}, {transform_indices = @transform_2, window_bounds = array<i64: 1, 1, 1024>}, {transform_indices = @transform_3, window_bounds = array<i64: 1, 1, 1>}, {pipeline_mode = #tpu.pipeline_mode<synchronous>, transform_indices = @transform_4, window_bounds = array<i64: 1, 256>}, {pipeline_mode = #tpu.pipeline_mode<synchronous>, transform_indices = @transform_5, window_bounds = array<i64: 1, 256>}, {pipeline_mode = #tpu.pipeline_mode<synchronous>, transform_indices = @transform_6, window_bounds = array<i64: 256, 256>}, {pipeline_mode = #tpu.pipeline_mode<synchronous>, transform_indices = @transform_7, window_bounds = array<i64: 1, 256>}, {pipeline_mode = #tpu.pipeline_mode<synchronous>, transform_indices = @transform_8, window_bounds = array<i64: 256, 256>}, {pipeline_mode = #tpu.pipeline_mode<synchronous>, transform_indices = @transform_9, window_bounds = array<i64: 1, 256>}, {pipeline_mode = #tpu.pipeline_mode<synchronous>, transform_indices = @transform_10, window_bounds = array<i64: 256, 256>}, {pipeline_mode = #tpu.pipeline_mode<synchronous>, transform_indices = @transform_11, window_bounds = array<i64: 1, 256>}, {pipeline_mode = #tpu.pipeline_mode<synchronous>, transform_indices = @transform_12, window_bounds = array<i64: 256, 256>}, {pipeline_mode = #tpu.pipeline_mode<synchronous>, transform_indices = @transform_13, window_bounds = array<i64: 1, 256>}, {pipeline_mode = #tpu.pipeline_mode<synchronous>, transform_indices = @transform_14, window_bounds = array<i64: 1, 256>}, {pipeline_mode = #tpu.pipeline_mode<synchronous>, transform_indices = @transform_15, window_bounds = array<i64: 1, 256>}, {pipeline_mode = #tpu.pipeline_mode<synchronous>, transform_indices = @transform_16, window_bounds = array<i64: 256, 1024>}, {pipeline_mode = #tpu.pipeline_mode<synchronous>, transform_indices = @transform_17, window_bounds = array<i64: 1, 1024>}, {pipeline_mode = #tpu.pipeline_mode<synchronous>, transform_indices = @transform_18, window_bounds = array<i64: 1024, 256>}, {pipeline_mode = #tpu.pipeline_mode<synchronous>, transform_indices = @transform_19, window_bounds = array<i64: 1, 256>}, {transform_indices = @transform_20, window_bounds = array<i64: 1, 1024, 256>}]} {
    %get3A = arith.constant 0 : index
    %get3A_0 = arith.constant 0 : index
    %get3A_1 = arith.constant 0 : index
    %get3A_2 = vector.load %arg1[%get3A, %get3A_0, %get3A_1] : memref<1x1024x256xf32, #tpu.memory_space<vmem>>, vector<1x1024x256xf32>
    %get3A_3 = vector.shape_cast %get3A_2 : vector<1x1024x256xf32> to vector<1024x256xf32>
    %get3A_4 = arith.constant 0 : index
    %get3A_5 = arith.constant 0 : index
    %get3A_6 = arith.constant 0 : index
    %get3A_7 = vector.load %arg2[%get3A_4, %get3A_5, %get3A_6] : memref<1x1x1024xf32, #tpu.memory_space<vmem>>, vector<1x1x1024xf32>
    %get3A_8 = vector.shape_cast %get3A_7 : vector<1x1x1024xf32> to vector<1x1024xf32>
    %get3A_9 = arith.constant 0 : index
    %get3A_10 = arith.constant 0 : index
    %get3A_11 = arith.constant 0 : index
    %get3A_12 = vector.load %arg3[%get3A_9, %get3A_10, %get3A_11] : memref<1x1x1024xf32, #tpu.memory_space<vmem>>, vector<1x1x1024xf32>
    %get3A_13 = vector.shape_cast %get3A_12 : vector<1x1x1024xf32> to vector<1x1024xf32>
    %get3A_14 = arith.constant 0 : index
    %get3A_15 = arith.constant 0 : index
    %get3A_16 = arith.constant 0 : index
    %get3A_17 = vector.load %arg4[%get3A_14, %get3A_15, %get3A_16] : memref<1x1x1xf32, #tpu.memory_space<vmem>>, vector<1x1x1xf32>
    %get3A_18 = vector.extract %get3A_17[0, 0, 0] : f32 from vector<1x1x1xf32>
    %iota3A = tpu.iota {dimensions = array<i32: 1>} : vector<1x1024xi32>
    %convert_element_type3A = arith.sitofp %iota3A : vector<1x1024xi32> to vector<1x1024xf32>
    %iota3A_19 = tpu.iota {dimensions = array<i32: 0>} : vector<1024x1xi32>
    %convert_element_type3A_20 = arith.sitofp %iota3A_19 : vector<1024x1xi32> to vector<1024x1xf32>
    %lt3A = vector.broadcast %get3A_18 : f32 to vector<1x1024xf32>
    %lt3A_21 = arith.cmpf olt, %convert_element_type3A, %lt3A : vector<1x1024xf32>
    %jit3A = arith.constant -1.000000e+09 : f32
    %broadcast_in_dim3A = vector.broadcast %jit3A : f32 to vector<1x1024xf32>
    %select_n3A = arith.select %lt3A_21, %get3A_13, %broadcast_in_dim3A : vector<1x1024xi1>, vector<1x1024xf32>
    %reduce_sum3A = arith.constant dense<0.000000e+00> : vector<1024xf32>
    %reduce_sum3A_22 = vector.multi_reduction <add>, %get3A_3, %reduce_sum3A [1] : vector<1024x256xf32> to vector<1024xf32>
    %broadcast_in_dim3A_23 = vector.shape_cast %reduce_sum3A_22 : vector<1024xf32> to vector<1024x1xf32>
    %div3A = arith.constant 2.560000e+02 : f32
    %div3A_24 = vector.broadcast %div3A : f32 to vector<1024x1xf32>
    %div3A_25 = arith.divf %broadcast_in_dim3A_23, %div3A_24 : vector<1024x1xf32>
    %sub3A = vector.broadcast %div3A_25 : vector<1024x1xf32> to vector<1024x256xf32>
    %sub3A_26 = arith.subf %get3A_3, %sub3A : vector<1024x256xf32>
    %integer_pow3A = arith.mulf %sub3A_26, %sub3A_26 : vector<1024x256xf32>
    %reduce_sum3A_27 = arith.constant dense<0.000000e+00> : vector<1024xf32>
    %reduce_sum3A_28 = vector.multi_reduction <add>, %integer_pow3A, %reduce_sum3A_27 [1] : vector<1024x256xf32> to vector<1024xf32>
    %broadcast_in_dim3A_29 = vector.shape_cast %reduce_sum3A_28 : vector<1024xf32> to vector<1024x1xf32>
    %div3A_30 = arith.constant 2.560000e+02 : f32
    %div3A_31 = vector.broadcast %div3A_30 : f32 to vector<1024x1xf32>
    %div3A_32 = arith.divf %broadcast_in_dim3A_29, %div3A_31 : vector<1024x1xf32>
    %sub3A_33 = vector.broadcast %div3A_25 : vector<1024x1xf32> to vector<1024x256xf32>
    %sub3A_34 = arith.subf %get3A_3, %sub3A_33 : vector<1024x256xf32>
    %add3A = arith.constant 9.99999974E-6 : f32
    %add3A_35 = vector.broadcast %add3A : f32 to vector<1024x1xf32>
    %add3A_36 = arith.addf %div3A_32, %add3A_35 : vector<1024x1xf32>
    %rsqrt3A = math.rsqrt %add3A_36 : vector<1024x1xf32>
    %mul3A = vector.broadcast %rsqrt3A : vector<1024x1xf32> to vector<1024x256xf32>
    %mul3A_37 = arith.mulf %sub3A_34, %mul3A : vector<1024x256xf32>
    %get3A_38 = arith.constant 0 : index
    %get3A_39 = arith.constant 0 : index
    %get3A_40 = vector.load %arg5[%get3A_38, %get3A_39] : memref<1x256xf32, #tpu.memory_space<vmem>>, vector<1x256xf32>
    %mul3A_41 = vector.broadcast %get3A_40 : vector<1x256xf32> to vector<1024x256xf32>
    %mul3A_42 = arith.mulf %mul3A_37, %mul3A_41 : vector<1024x256xf32>
    %get3A_43 = arith.constant 0 : index
    %get3A_44 = arith.constant 0 : index
    %get3A_45 = vector.load %arg6[%get3A_43, %get3A_44] : memref<1x256xf32, #tpu.memory_space<vmem>>, vector<1x256xf32>
    %add3A_46 = vector.broadcast %get3A_45 : vector<1x256xf32> to vector<1024x256xf32>
    %add3A_47 = arith.addf %mul3A_42, %add3A_46 : vector<1024x256xf32>
    %get3A_48 = arith.constant 0 : index
    %get3A_49 = arith.constant 0 : index
    %get3A_50 = vector.load %arg7[%get3A_48, %get3A_49] : memref<256x256xf32, #tpu.memory_space<vmem>>, vector<256x256xf32>
    %dot_general3A = arith.constant dense<0.000000e+00> : vector<1024x256xf32>
    %dot_general3A_51 = tpu.matmul %add3A_47, %get3A_50, %dot_general3A {dimension_numbers = #tpu.dot_dimension_numbers<[1], [0], [0], [1], [0, 0, 1, 1], [], []>, transpose_lhs_hint = false} : vector<1024x256xf32>, vector<256x256xf32>, vector<1024x256xf32> -> vector<1024x256xf32>
    %get3A_52 = arith.constant 0 : index
    %get3A_53 = arith.constant 0 : index
    %get3A_54 = vector.load %arg8[%get3A_52, %get3A_53] : memref<1x256xf32, #tpu.memory_space<vmem>>, vector<1x256xf32>
    %add3A_55 = vector.broadcast %get3A_54 : vector<1x256xf32> to vector<1024x256xf32>
    %add3A_56 = arith.addf %dot_general3A_51, %add3A_55 : vector<1024x256xf32>
    %get3A_57 = arith.constant 0 : index
    %get3A_58 = arith.constant 0 : index
    %get3A_59 = vector.load %arg9[%get3A_57, %get3A_58] : memref<256x256xf32, #tpu.memory_space<vmem>>, vector<256x256xf32>
    %dot_general3A_60 = arith.constant dense<0.000000e+00> : vector<1024x256xf32>
    %dot_general3A_61 = tpu.matmul %add3A_47, %get3A_59, %dot_general3A_60 {dimension_numbers = #tpu.dot_dimension_numbers<[1], [0], [0], [1], [0, 0, 1, 1], [], []>, transpose_lhs_hint = false} : vector<1024x256xf32>, vector<256x256xf32>, vector<1024x256xf32> -> vector<1024x256xf32>
    %get3A_62 = arith.constant 0 : index
    %get3A_63 = arith.constant 0 : index
    %get3A_64 = vector.load %arg10[%get3A_62, %get3A_63] : memref<1x256xf32, #tpu.memory_space<vmem>>, vector<1x256xf32>
    %add3A_65 = vector.broadcast %get3A_64 : vector<1x256xf32> to vector<1024x256xf32>
    %add3A_66 = arith.addf %dot_general3A_61, %add3A_65 : vector<1024x256xf32>
    %get3A_67 = arith.constant 0 : index
    %get3A_68 = arith.constant 0 : index
    %get3A_69 = vector.load %arg11[%get3A_67, %get3A_68] : memref<256x256xf32, #tpu.memory_space<vmem>>, vector<256x256xf32>
    %dot_general3A_70 = arith.constant dense<0.000000e+00> : vector<1024x256xf32>
    %dot_general3A_71 = tpu.matmul %add3A_47, %get3A_69, %dot_general3A_70 {dimension_numbers = #tpu.dot_dimension_numbers<[1], [0], [0], [1], [0, 0, 1, 1], [], []>, transpose_lhs_hint = false} : vector<1024x256xf32>, vector<256x256xf32>, vector<1024x256xf32> -> vector<1024x256xf32>
    %get3A_72 = arith.constant 0 : index
    %get3A_73 = arith.constant 0 : index
    %get3A_74 = vector.load %arg12[%get3A_72, %get3A_73] : memref<1x256xf32, #tpu.memory_space<vmem>>, vector<1x256xf32>
    %add3A_75 = vector.broadcast %get3A_74 : vector<1x256xf32> to vector<1024x256xf32>
    %add3A_76 = arith.addf %dot_general3A_71, %add3A_75 : vector<1024x256xf32>
    %slice3A = vector.extract_strided_slice %add3A_56 {offsets = [0, 0], sizes = [1024, 32], strides = [1, 1]} : vector<1024x256xf32> to vector<1024x32xf32>
    %slice3A_77 = vector.extract_strided_slice %add3A_66 {offsets = [0, 0], sizes = [1024, 32], strides = [1, 1]} : vector<1024x256xf32> to vector<1024x32xf32>
    %slice3A_78 = vector.extract_strided_slice %add3A_76 {offsets = [0, 0], sizes = [1024, 32], strides = [1, 1]} : vector<1024x256xf32> to vector<1024x32xf32>
    %dot_general3A_79 = arith.constant dense<0.000000e+00> : vector<1024x1024xf32>
    %dot_general3A_80 = tpu.matmul %slice3A, %slice3A_77, %dot_general3A_79 {dimension_numbers = #tpu.dot_dimension_numbers<[1], [1], [0], [0], [0, 0, 1, 0], [], []>, transpose_lhs_hint = false} : vector<1024x32xf32>, vector<1024x32xf32>, vector<1024x1024xf32> -> vector<1024x1024xf32>
    %mul3A_81 = arith.constant 0.176776692 : f32
    %mul3A_82 = vector.broadcast %mul3A_81 : f32 to vector<1024x1024xf32>
    %mul3A_83 = arith.mulf %dot_general3A_80, %mul3A_82 : vector<1024x1024xf32>
    %add3A_84 = vector.broadcast %select_n3A : vector<1x1024xf32> to vector<1024x1024xf32>
    %add3A_85 = arith.addf %mul3A_83, %add3A_84 : vector<1024x1024xf32>
    %exp3A = math.exp %add3A_85 : vector<1024x1024xf32>
    %reduce_sum3A_86 = arith.constant dense<0.000000e+00> : vector<1024xf32>
    %reduce_sum3A_87 = vector.multi_reduction <add>, %exp3A, %reduce_sum3A_86 [1] : vector<1024x1024xf32> to vector<1024xf32>
    %broadcast_in_dim3A_88 = vector.shape_cast %reduce_sum3A_87 : vector<1024xf32> to vector<1024x1xf32>
    %dot_general3A_89 = arith.constant dense<0.000000e+00> : vector<1024x32xf32>
    %dot_general3A_90 = tpu.matmul %exp3A, %slice3A_78, %dot_general3A_89 {dimension_numbers = #tpu.dot_dimension_numbers<[1], [0], [0], [1], [0, 0, 1, 1], [], []>, transpose_lhs_hint = false} : vector<1024x1024xf32>, vector<1024x32xf32>, vector<1024x32xf32> -> vector<1024x32xf32>
    %div3A_91 = vector.broadcast %broadcast_in_dim3A_88 : vector<1024x1xf32> to vector<1024x32xf32>
    %div3A_92 = arith.divf %dot_general3A_90, %div3A_91 : vector<1024x32xf32>
    %slice3A_93 = vector.extract_strided_slice %add3A_56 {offsets = [0, 32], sizes = [1024, 32], strides = [1, 1]} : vector<1024x256xf32> to vector<1024x32xf32>
    %slice3A_94 = vector.extract_strided_slice %add3A_66 {offsets = [0, 32], sizes = [1024, 32], strides = [1, 1]} : vector<1024x256xf32> to vector<1024x32xf32>
    %slice3A_95 = vector.extract_strided_slice %add3A_76 {offsets = [0, 32], sizes = [1024, 32], strides = [1, 1]} : vector<1024x256xf32> to vector<1024x32xf32>
    %dot_general3A_96 = arith.constant dense<0.000000e+00> : vector<1024x1024xf32>
    %dot_general3A_97 = tpu.matmul %slice3A_93, %slice3A_94, %dot_general3A_96 {dimension_numbers = #tpu.dot_dimension_numbers<[1], [1], [0], [0], [0, 0, 1, 0], [], []>, transpose_lhs_hint = false} : vector<1024x32xf32>, vector<1024x32xf32>, vector<1024x1024xf32> -> vector<1024x1024xf32>
    %mul3A_98 = arith.constant 0.176776692 : f32
    %mul3A_99 = vector.broadcast %mul3A_98 : f32 to vector<1024x1024xf32>
    %mul3A_100 = arith.mulf %dot_general3A_97, %mul3A_99 : vector<1024x1024xf32>
    %add3A_101 = vector.broadcast %select_n3A : vector<1x1024xf32> to vector<1024x1024xf32>
    %add3A_102 = arith.addf %mul3A_100, %add3A_101 : vector<1024x1024xf32>
    %exp3A_103 = math.exp %add3A_102 : vector<1024x1024xf32>
    %reduce_sum3A_104 = arith.constant dense<0.000000e+00> : vector<1024xf32>
    %reduce_sum3A_105 = vector.multi_reduction <add>, %exp3A_103, %reduce_sum3A_104 [1] : vector<1024x1024xf32> to vector<1024xf32>
    %broadcast_in_dim3A_106 = vector.shape_cast %reduce_sum3A_105 : vector<1024xf32> to vector<1024x1xf32>
    %dot_general3A_107 = arith.constant dense<0.000000e+00> : vector<1024x32xf32>
    %dot_general3A_108 = tpu.matmul %exp3A_103, %slice3A_95, %dot_general3A_107 {dimension_numbers = #tpu.dot_dimension_numbers<[1], [0], [0], [1], [0, 0, 1, 1], [], []>, transpose_lhs_hint = false} : vector<1024x1024xf32>, vector<1024x32xf32>, vector<1024x32xf32> -> vector<1024x32xf32>
    %div3A_109 = vector.broadcast %broadcast_in_dim3A_106 : vector<1024x1xf32> to vector<1024x32xf32>
    %div3A_110 = arith.divf %dot_general3A_108, %div3A_109 : vector<1024x32xf32>
    %slice3A_111 = vector.extract_strided_slice %add3A_56 {offsets = [0, 64], sizes = [1024, 32], strides = [1, 1]} : vector<1024x256xf32> to vector<1024x32xf32>
    %slice3A_112 = vector.extract_strided_slice %add3A_66 {offsets = [0, 64], sizes = [1024, 32], strides = [1, 1]} : vector<1024x256xf32> to vector<1024x32xf32>
    %slice3A_113 = vector.extract_strided_slice %add3A_76 {offsets = [0, 64], sizes = [1024, 32], strides = [1, 1]} : vector<1024x256xf32> to vector<1024x32xf32>
    %dot_general3A_114 = arith.constant dense<0.000000e+00> : vector<1024x1024xf32>
    %dot_general3A_115 = tpu.matmul %slice3A_111, %slice3A_112, %dot_general3A_114 {dimension_numbers = #tpu.dot_dimension_numbers<[1], [1], [0], [0], [0, 0, 1, 0], [], []>, transpose_lhs_hint = false} : vector<1024x32xf32>, vector<1024x32xf32>, vector<1024x1024xf32> -> vector<1024x1024xf32>
    %mul3A_116 = arith.constant 0.176776692 : f32
    %mul3A_117 = vector.broadcast %mul3A_116 : f32 to vector<1024x1024xf32>
    %mul3A_118 = arith.mulf %dot_general3A_115, %mul3A_117 : vector<1024x1024xf32>
    %add3A_119 = vector.broadcast %select_n3A : vector<1x1024xf32> to vector<1024x1024xf32>
    %add3A_120 = arith.addf %mul3A_118, %add3A_119 : vector<1024x1024xf32>
    %exp3A_121 = math.exp %add3A_120 : vector<1024x1024xf32>
    %reduce_sum3A_122 = arith.constant dense<0.000000e+00> : vector<1024xf32>
    %reduce_sum3A_123 = vector.multi_reduction <add>, %exp3A_121, %reduce_sum3A_122 [1] : vector<1024x1024xf32> to vector<1024xf32>
    %broadcast_in_dim3A_124 = vector.shape_cast %reduce_sum3A_123 : vector<1024xf32> to vector<1024x1xf32>
    %dot_general3A_125 = arith.constant dense<0.000000e+00> : vector<1024x32xf32>
    %dot_general3A_126 = tpu.matmul %exp3A_121, %slice3A_113, %dot_general3A_125 {dimension_numbers = #tpu.dot_dimension_numbers<[1], [0], [0], [1], [0, 0, 1, 1], [], []>, transpose_lhs_hint = false} : vector<1024x1024xf32>, vector<1024x32xf32>, vector<1024x32xf32> -> vector<1024x32xf32>
    %div3A_127 = vector.broadcast %broadcast_in_dim3A_124 : vector<1024x1xf32> to vector<1024x32xf32>
    %div3A_128 = arith.divf %dot_general3A_126, %div3A_127 : vector<1024x32xf32>
    %slice3A_129 = vector.extract_strided_slice %add3A_56 {offsets = [0, 96], sizes = [1024, 32], strides = [1, 1]} : vector<1024x256xf32> to vector<1024x32xf32>
    %slice3A_130 = vector.extract_strided_slice %add3A_66 {offsets = [0, 96], sizes = [1024, 32], strides = [1, 1]} : vector<1024x256xf32> to vector<1024x32xf32>
    %slice3A_131 = vector.extract_strided_slice %add3A_76 {offsets = [0, 96], sizes = [1024, 32], strides = [1, 1]} : vector<1024x256xf32> to vector<1024x32xf32>
    %dot_general3A_132 = arith.constant dense<0.000000e+00> : vector<1024x1024xf32>
    %dot_general3A_133 = tpu.matmul %slice3A_129, %slice3A_130, %dot_general3A_132 {dimension_numbers = #tpu.dot_dimension_numbers<[1], [1], [0], [0], [0, 0, 1, 0], [], []>, transpose_lhs_hint = false} : vector<1024x32xf32>, vector<1024x32xf32>, vector<1024x1024xf32> -> vector<1024x1024xf32>
    %mul3A_134 = arith.constant 0.176776692 : f32
    %mul3A_135 = vector.broadcast %mul3A_134 : f32 to vector<1024x1024xf32>
    %mul3A_136 = arith.mulf %dot_general3A_133, %mul3A_135 : vector<1024x1024xf32>
    %add3A_137 = vector.broadcast %select_n3A : vector<1x1024xf32> to vector<1024x1024xf32>
    %add3A_138 = arith.addf %mul3A_136, %add3A_137 : vector<1024x1024xf32>
    %exp3A_139 = math.exp %add3A_138 : vector<1024x1024xf32>
    %reduce_sum3A_140 = arith.constant dense<0.000000e+00> : vector<1024xf32>
    %reduce_sum3A_141 = vector.multi_reduction <add>, %exp3A_139, %reduce_sum3A_140 [1] : vector<1024x1024xf32> to vector<1024xf32>
    %broadcast_in_dim3A_142 = vector.shape_cast %reduce_sum3A_141 : vector<1024xf32> to vector<1024x1xf32>
    %dot_general3A_143 = arith.constant dense<0.000000e+00> : vector<1024x32xf32>
    %dot_general3A_144 = tpu.matmul %exp3A_139, %slice3A_131, %dot_general3A_143 {dimension_numbers = #tpu.dot_dimension_numbers<[1], [0], [0], [1], [0, 0, 1, 1], [], []>, transpose_lhs_hint = false} : vector<1024x1024xf32>, vector<1024x32xf32>, vector<1024x32xf32> -> vector<1024x32xf32>
    %div3A_145 = vector.broadcast %broadcast_in_dim3A_142 : vector<1024x1xf32> to vector<1024x32xf32>
    %div3A_146 = arith.divf %dot_general3A_144, %div3A_145 : vector<1024x32xf32>
    %slice3A_147 = vector.extract_strided_slice %add3A_56 {offsets = [0, 128], sizes = [1024, 32], strides = [1, 1]} : vector<1024x256xf32> to vector<1024x32xf32>
    %slice3A_148 = vector.extract_strided_slice %add3A_66 {offsets = [0, 128], sizes = [1024, 32], strides = [1, 1]} : vector<1024x256xf32> to vector<1024x32xf32>
    %slice3A_149 = vector.extract_strided_slice %add3A_76 {offsets = [0, 128], sizes = [1024, 32], strides = [1, 1]} : vector<1024x256xf32> to vector<1024x32xf32>
    %dot_general3A_150 = arith.constant dense<0.000000e+00> : vector<1024x1024xf32>
    %dot_general3A_151 = tpu.matmul %slice3A_147, %slice3A_148, %dot_general3A_150 {dimension_numbers = #tpu.dot_dimension_numbers<[1], [1], [0], [0], [0, 0, 1, 0], [], []>, transpose_lhs_hint = false} : vector<1024x32xf32>, vector<1024x32xf32>, vector<1024x1024xf32> -> vector<1024x1024xf32>
    %mul3A_152 = arith.constant 0.176776692 : f32
    %mul3A_153 = vector.broadcast %mul3A_152 : f32 to vector<1024x1024xf32>
    %mul3A_154 = arith.mulf %dot_general3A_151, %mul3A_153 : vector<1024x1024xf32>
    %add3A_155 = vector.broadcast %select_n3A : vector<1x1024xf32> to vector<1024x1024xf32>
    %add3A_156 = arith.addf %mul3A_154, %add3A_155 : vector<1024x1024xf32>
    %exp3A_157 = math.exp %add3A_156 : vector<1024x1024xf32>
    %reduce_sum3A_158 = arith.constant dense<0.000000e+00> : vector<1024xf32>
    %reduce_sum3A_159 = vector.multi_reduction <add>, %exp3A_157, %reduce_sum3A_158 [1] : vector<1024x1024xf32> to vector<1024xf32>
    %broadcast_in_dim3A_160 = vector.shape_cast %reduce_sum3A_159 : vector<1024xf32> to vector<1024x1xf32>
    %dot_general3A_161 = arith.constant dense<0.000000e+00> : vector<1024x32xf32>
    %dot_general3A_162 = tpu.matmul %exp3A_157, %slice3A_149, %dot_general3A_161 {dimension_numbers = #tpu.dot_dimension_numbers<[1], [0], [0], [1], [0, 0, 1, 1], [], []>, transpose_lhs_hint = false} : vector<1024x1024xf32>, vector<1024x32xf32>, vector<1024x32xf32> -> vector<1024x32xf32>
    %div3A_163 = vector.broadcast %broadcast_in_dim3A_160 : vector<1024x1xf32> to vector<1024x32xf32>
    %div3A_164 = arith.divf %dot_general3A_162, %div3A_163 : vector<1024x32xf32>
    %slice3A_165 = vector.extract_strided_slice %add3A_56 {offsets = [0, 160], sizes = [1024, 32], strides = [1, 1]} : vector<1024x256xf32> to vector<1024x32xf32>
    %slice3A_166 = vector.extract_strided_slice %add3A_66 {offsets = [0, 160], sizes = [1024, 32], strides = [1, 1]} : vector<1024x256xf32> to vector<1024x32xf32>
    %slice3A_167 = vector.extract_strided_slice %add3A_76 {offsets = [0, 160], sizes = [1024, 32], strides = [1, 1]} : vector<1024x256xf32> to vector<1024x32xf32>
    %dot_general3A_168 = arith.constant dense<0.000000e+00> : vector<1024x1024xf32>
    %dot_general3A_169 = tpu.matmul %slice3A_165, %slice3A_166, %dot_general3A_168 {dimension_numbers = #tpu.dot_dimension_numbers<[1], [1], [0], [0], [0, 0, 1, 0], [], []>, transpose_lhs_hint = false} : vector<1024x32xf32>, vector<1024x32xf32>, vector<1024x1024xf32> -> vector<1024x1024xf32>
    %mul3A_170 = arith.constant 0.176776692 : f32
    %mul3A_171 = vector.broadcast %mul3A_170 : f32 to vector<1024x1024xf32>
    %mul3A_172 = arith.mulf %dot_general3A_169, %mul3A_171 : vector<1024x1024xf32>
    %add3A_173 = vector.broadcast %select_n3A : vector<1x1024xf32> to vector<1024x1024xf32>
    %add3A_174 = arith.addf %mul3A_172, %add3A_173 : vector<1024x1024xf32>
    %exp3A_175 = math.exp %add3A_174 : vector<1024x1024xf32>
    %reduce_sum3A_176 = arith.constant dense<0.000000e+00> : vector<1024xf32>
    %reduce_sum3A_177 = vector.multi_reduction <add>, %exp3A_175, %reduce_sum3A_176 [1] : vector<1024x1024xf32> to vector<1024xf32>
    %broadcast_in_dim3A_178 = vector.shape_cast %reduce_sum3A_177 : vector<1024xf32> to vector<1024x1xf32>
    %dot_general3A_179 = arith.constant dense<0.000000e+00> : vector<1024x32xf32>
    %dot_general3A_180 = tpu.matmul %exp3A_175, %slice3A_167, %dot_general3A_179 {dimension_numbers = #tpu.dot_dimension_numbers<[1], [0], [0], [1], [0, 0, 1, 1], [], []>, transpose_lhs_hint = false} : vector<1024x1024xf32>, vector<1024x32xf32>, vector<1024x32xf32> -> vector<1024x32xf32>
    %div3A_181 = vector.broadcast %broadcast_in_dim3A_178 : vector<1024x1xf32> to vector<1024x32xf32>
    %div3A_182 = arith.divf %dot_general3A_180, %div3A_181 : vector<1024x32xf32>
    %slice3A_183 = vector.extract_strided_slice %add3A_56 {offsets = [0, 192], sizes = [1024, 32], strides = [1, 1]} : vector<1024x256xf32> to vector<1024x32xf32>
    %slice3A_184 = vector.extract_strided_slice %add3A_66 {offsets = [0, 192], sizes = [1024, 32], strides = [1, 1]} : vector<1024x256xf32> to vector<1024x32xf32>
    %slice3A_185 = vector.extract_strided_slice %add3A_76 {offsets = [0, 192], sizes = [1024, 32], strides = [1, 1]} : vector<1024x256xf32> to vector<1024x32xf32>
    %dot_general3A_186 = arith.constant dense<0.000000e+00> : vector<1024x1024xf32>
    %dot_general3A_187 = tpu.matmul %slice3A_183, %slice3A_184, %dot_general3A_186 {dimension_numbers = #tpu.dot_dimension_numbers<[1], [1], [0], [0], [0, 0, 1, 0], [], []>, transpose_lhs_hint = false} : vector<1024x32xf32>, vector<1024x32xf32>, vector<1024x1024xf32> -> vector<1024x1024xf32>
    %mul3A_188 = arith.constant 0.176776692 : f32
    %mul3A_189 = vector.broadcast %mul3A_188 : f32 to vector<1024x1024xf32>
    %mul3A_190 = arith.mulf %dot_general3A_187, %mul3A_189 : vector<1024x1024xf32>
    %add3A_191 = vector.broadcast %select_n3A : vector<1x1024xf32> to vector<1024x1024xf32>
    %add3A_192 = arith.addf %mul3A_190, %add3A_191 : vector<1024x1024xf32>
    %exp3A_193 = math.exp %add3A_192 : vector<1024x1024xf32>
    %reduce_sum3A_194 = arith.constant dense<0.000000e+00> : vector<1024xf32>
    %reduce_sum3A_195 = vector.multi_reduction <add>, %exp3A_193, %reduce_sum3A_194 [1] : vector<1024x1024xf32> to vector<1024xf32>
    %broadcast_in_dim3A_196 = vector.shape_cast %reduce_sum3A_195 : vector<1024xf32> to vector<1024x1xf32>
    %dot_general3A_197 = arith.constant dense<0.000000e+00> : vector<1024x32xf32>
    %dot_general3A_198 = tpu.matmul %exp3A_193, %slice3A_185, %dot_general3A_197 {dimension_numbers = #tpu.dot_dimension_numbers<[1], [0], [0], [1], [0, 0, 1, 1], [], []>, transpose_lhs_hint = false} : vector<1024x1024xf32>, vector<1024x32xf32>, vector<1024x32xf32> -> vector<1024x32xf32>
    %div3A_199 = vector.broadcast %broadcast_in_dim3A_196 : vector<1024x1xf32> to vector<1024x32xf32>
    %div3A_200 = arith.divf %dot_general3A_198, %div3A_199 : vector<1024x32xf32>
    %slice3A_201 = vector.extract_strided_slice %add3A_56 {offsets = [0, 224], sizes = [1024, 32], strides = [1, 1]} : vector<1024x256xf32> to vector<1024x32xf32>
    %slice3A_202 = vector.extract_strided_slice %add3A_66 {offsets = [0, 224], sizes = [1024, 32], strides = [1, 1]} : vector<1024x256xf32> to vector<1024x32xf32>
    %slice3A_203 = vector.extract_strided_slice %add3A_76 {offsets = [0, 224], sizes = [1024, 32], strides = [1, 1]} : vector<1024x256xf32> to vector<1024x32xf32>
    %dot_general3A_204 = arith.constant dense<0.000000e+00> : vector<1024x1024xf32>
    %dot_general3A_205 = tpu.matmul %slice3A_201, %slice3A_202, %dot_general3A_204 {dimension_numbers = #tpu.dot_dimension_numbers<[1], [1], [0], [0], [0, 0, 1, 0], [], []>, transpose_lhs_hint = false} : vector<1024x32xf32>, vector<1024x32xf32>, vector<1024x1024xf32> -> vector<1024x1024xf32>
    %mul3A_206 = arith.constant 0.176776692 : f32
    %mul3A_207 = vector.broadcast %mul3A_206 : f32 to vector<1024x1024xf32>
    %mul3A_208 = arith.mulf %dot_general3A_205, %mul3A_207 : vector<1024x1024xf32>
    %add3A_209 = vector.broadcast %select_n3A : vector<1x1024xf32> to vector<1024x1024xf32>
    %add3A_210 = arith.addf %mul3A_208, %add3A_209 : vector<1024x1024xf32>
    %exp3A_211 = math.exp %add3A_210 : vector<1024x1024xf32>
    %reduce_sum3A_212 = arith.constant dense<0.000000e+00> : vector<1024xf32>
    %reduce_sum3A_213 = vector.multi_reduction <add>, %exp3A_211, %reduce_sum3A_212 [1] : vector<1024x1024xf32> to vector<1024xf32>
    %broadcast_in_dim3A_214 = vector.shape_cast %reduce_sum3A_213 : vector<1024xf32> to vector<1024x1xf32>
    %dot_general3A_215 = arith.constant dense<0.000000e+00> : vector<1024x32xf32>
    %dot_general3A_216 = tpu.matmul %exp3A_211, %slice3A_203, %dot_general3A_215 {dimension_numbers = #tpu.dot_dimension_numbers<[1], [0], [0], [1], [0, 0, 1, 1], [], []>, transpose_lhs_hint = false} : vector<1024x1024xf32>, vector<1024x32xf32>, vector<1024x32xf32> -> vector<1024x32xf32>
    %div3A_217 = vector.broadcast %broadcast_in_dim3A_214 : vector<1024x1xf32> to vector<1024x32xf32>
    %div3A_218 = arith.divf %dot_general3A_216, %div3A_217 : vector<1024x32xf32>
    %concatenate3A = tpu.concatenate %div3A_92, %div3A_110, %div3A_128, %div3A_146, %div3A_164, %div3A_182, %div3A_200, %div3A_218 in 1 : vector<1024x32xf32>, vector<1024x32xf32>, vector<1024x32xf32>, vector<1024x32xf32>, vector<1024x32xf32>, vector<1024x32xf32>, vector<1024x32xf32>, vector<1024x32xf32> -> vector<1024x256xf32>
    %get3A_219 = arith.constant 0 : index
    %get3A_220 = arith.constant 0 : index
    %get3A_221 = vector.load %arg13[%get3A_219, %get3A_220] : memref<256x256xf32, #tpu.memory_space<vmem>>, vector<256x256xf32>
    %dot_general3A_222 = arith.constant dense<0.000000e+00> : vector<1024x256xf32>
    %dot_general3A_223 = tpu.matmul %concatenate3A, %get3A_221, %dot_general3A_222 {dimension_numbers = #tpu.dot_dimension_numbers<[1], [0], [0], [1], [0, 0, 1, 1], [], []>, transpose_lhs_hint = false} : vector<1024x256xf32>, vector<256x256xf32>, vector<1024x256xf32> -> vector<1024x256xf32>
    %add3A_224 = arith.addf %get3A_3, %dot_general3A_223 : vector<1024x256xf32>
    %get3A_225 = arith.constant 0 : index
    %get3A_226 = arith.constant 0 : index
    %get3A_227 = vector.load %arg14[%get3A_225, %get3A_226] : memref<1x256xf32, #tpu.memory_space<vmem>>, vector<1x256xf32>
    %add3A_228 = vector.broadcast %get3A_227 : vector<1x256xf32> to vector<1024x256xf32>
    %add3A_229 = arith.addf %add3A_224, %add3A_228 : vector<1024x256xf32>
    %reduce_sum3A_230 = arith.constant dense<0.000000e+00> : vector<1024xf32>
    %reduce_sum3A_231 = vector.multi_reduction <add>, %add3A_229, %reduce_sum3A_230 [1] : vector<1024x256xf32> to vector<1024xf32>
    %broadcast_in_dim3A_232 = vector.shape_cast %reduce_sum3A_231 : vector<1024xf32> to vector<1024x1xf32>
    %div3A_233 = arith.constant 2.560000e+02 : f32
    %div3A_234 = vector.broadcast %div3A_233 : f32 to vector<1024x1xf32>
    %div3A_235 = arith.divf %broadcast_in_dim3A_232, %div3A_234 : vector<1024x1xf32>
    %sub3A_236 = vector.broadcast %div3A_235 : vector<1024x1xf32> to vector<1024x256xf32>
    %sub3A_237 = arith.subf %add3A_229, %sub3A_236 : vector<1024x256xf32>
    %integer_pow3A_238 = arith.mulf %sub3A_237, %sub3A_237 : vector<1024x256xf32>
    %reduce_sum3A_239 = arith.constant dense<0.000000e+00> : vector<1024xf32>
    %reduce_sum3A_240 = vector.multi_reduction <add>, %integer_pow3A_238, %reduce_sum3A_239 [1] : vector<1024x256xf32> to vector<1024xf32>
    %broadcast_in_dim3A_241 = vector.shape_cast %reduce_sum3A_240 : vector<1024xf32> to vector<1024x1xf32>
    %div3A_242 = arith.constant 2.560000e+02 : f32
    %div3A_243 = vector.broadcast %div3A_242 : f32 to vector<1024x1xf32>
    %div3A_244 = arith.divf %broadcast_in_dim3A_241, %div3A_243 : vector<1024x1xf32>
    %sub3A_245 = vector.broadcast %div3A_235 : vector<1024x1xf32> to vector<1024x256xf32>
    %sub3A_246 = arith.subf %add3A_229, %sub3A_245 : vector<1024x256xf32>
    %add3A_247 = arith.constant 9.99999974E-6 : f32
    %add3A_248 = vector.broadcast %add3A_247 : f32 to vector<1024x1xf32>
    %add3A_249 = arith.addf %div3A_244, %add3A_248 : vector<1024x1xf32>
    %rsqrt3A_250 = math.rsqrt %add3A_249 : vector<1024x1xf32>
    %mul3A_251 = vector.broadcast %rsqrt3A_250 : vector<1024x1xf32> to vector<1024x256xf32>
    %mul3A_252 = arith.mulf %sub3A_246, %mul3A_251 : vector<1024x256xf32>
    %get3A_253 = arith.constant 0 : index
    %get3A_254 = arith.constant 0 : index
    %get3A_255 = vector.load %arg15[%get3A_253, %get3A_254] : memref<1x256xf32, #tpu.memory_space<vmem>>, vector<1x256xf32>
    %mul3A_256 = vector.broadcast %get3A_255 : vector<1x256xf32> to vector<1024x256xf32>
    %mul3A_257 = arith.mulf %mul3A_252, %mul3A_256 : vector<1024x256xf32>
    %get3A_258 = arith.constant 0 : index
    %get3A_259 = arith.constant 0 : index
    %get3A_260 = vector.load %arg16[%get3A_258, %get3A_259] : memref<1x256xf32, #tpu.memory_space<vmem>>, vector<1x256xf32>
    %add3A_261 = vector.broadcast %get3A_260 : vector<1x256xf32> to vector<1024x256xf32>
    %add3A_262 = arith.addf %mul3A_257, %add3A_261 : vector<1024x256xf32>
    %get3A_263 = arith.constant 0 : index
    %get3A_264 = arith.constant 0 : index
    %get3A_265 = vector.load %arg17[%get3A_263, %get3A_264] : memref<256x1024xf32, #tpu.memory_space<vmem>>, vector<256x1024xf32>
    %dot_general3A_266 = arith.constant dense<0.000000e+00> : vector<1024x1024xf32>
    %dot_general3A_267 = tpu.matmul %add3A_262, %get3A_265, %dot_general3A_266 {dimension_numbers = #tpu.dot_dimension_numbers<[1], [0], [0], [1], [0, 0, 1, 1], [], []>, transpose_lhs_hint = false} : vector<1024x256xf32>, vector<256x1024xf32>, vector<1024x1024xf32> -> vector<1024x1024xf32>
    %get3A_268 = arith.constant 0 : index
    %get3A_269 = arith.constant 0 : index
    %get3A_270 = vector.load %arg18[%get3A_268, %get3A_269] : memref<1x1024xf32, #tpu.memory_space<vmem>>, vector<1x1024xf32>
    %add3A_271 = vector.broadcast %get3A_270 : vector<1x1024xf32> to vector<1024x1024xf32>
    %add3A_272 = arith.addf %dot_general3A_267, %add3A_271 : vector<1024x1024xf32>
    %integer_pow3A_273 = arith.mulf %add3A_272, %add3A_272 : vector<1024x1024xf32>
    %integer_pow3A_274 = arith.mulf %add3A_272, %integer_pow3A_273 : vector<1024x1024xf32>
    %mul3A_275 = arith.constant 4.471500e-02 : f32
    %mul3A_276 = vector.broadcast %mul3A_275 : f32 to vector<1024x1024xf32>
    %mul3A_277 = arith.mulf %mul3A_276, %integer_pow3A_274 : vector<1024x1024xf32>
    %add3A_278 = arith.addf %add3A_272, %mul3A_277 : vector<1024x1024xf32>
    %mul3A_279 = arith.constant 0.797884583 : f32
    %mul3A_280 = vector.broadcast %mul3A_279 : f32 to vector<1024x1024xf32>
    %mul3A_281 = arith.mulf %mul3A_280, %add3A_278 : vector<1024x1024xf32>
    %tanh3A = math.tanh %mul3A_281 : vector<1024x1024xf32>
    %add3A_282 = arith.constant 1.000000e+00 : f32
    %add3A_283 = vector.broadcast %add3A_282 : f32 to vector<1024x1024xf32>
    %add3A_284 = arith.addf %add3A_283, %tanh3A : vector<1024x1024xf32>
    %mul3A_285 = arith.constant 5.000000e-01 : f32
    %mul3A_286 = vector.broadcast %mul3A_285 : f32 to vector<1024x1024xf32>
    %mul3A_287 = arith.mulf %mul3A_286, %add3A_284 : vector<1024x1024xf32>
    %mul3A_288 = arith.mulf %add3A_272, %mul3A_287 : vector<1024x1024xf32>
    %get3A_289 = arith.constant 0 : index
    %get3A_290 = arith.constant 0 : index
    %get3A_291 = vector.load %arg19[%get3A_289, %get3A_290] : memref<1024x256xf32, #tpu.memory_space<vmem>>, vector<1024x256xf32>
    %dot_general3A_292 = arith.constant dense<0.000000e+00> : vector<1024x256xf32>
    %dot_general3A_293 = tpu.matmul %mul3A_288, %get3A_291, %dot_general3A_292 {dimension_numbers = #tpu.dot_dimension_numbers<[1], [0], [0], [1], [0, 0, 1, 1], [], []>, transpose_lhs_hint = false} : vector<1024x1024xf32>, vector<1024x256xf32>, vector<1024x256xf32> -> vector<1024x256xf32>
    %add3A_294 = arith.addf %add3A_229, %dot_general3A_293 : vector<1024x256xf32>
    %get3A_295 = arith.constant 0 : index
    %get3A_296 = arith.constant 0 : index
    %get3A_297 = vector.load %arg20[%get3A_295, %get3A_296] : memref<1x256xf32, #tpu.memory_space<vmem>>, vector<1x256xf32>
    %add3A_298 = vector.broadcast %get3A_297 : vector<1x256xf32> to vector<1024x256xf32>
    %add3A_299 = arith.addf %add3A_294, %add3A_298 : vector<1024x256xf32>
    %transpose3A = tpu.transpose %get3A_8, [1, 0] : vector<1x1024xf32> -> vector<1024x1xf32>
    %lt3A_300 = vector.broadcast %get3A_18 : f32 to vector<1024x1xf32>
    %lt3A_301 = arith.cmpf olt, %convert_element_type3A_20, %lt3A_300 : vector<1024x1xf32>
    %mul3A_302 = vector.broadcast %transpose3A : vector<1024x1xf32> to vector<1024x256xf32>
    %mul3A_303 = arith.mulf %add3A_299, %mul3A_302 : vector<1024x256xf32>
    %jit3A_304 = arith.constant 0.000000e+00 : f32
    %broadcast_in_dim3A_305 = vector.shape_cast %lt3A_301 : vector<1024x1xi1> to vector<1024x1xi1>
    %broadcast_in_dim3A_306 = vector.broadcast %broadcast_in_dim3A_305 : vector<1024x1xi1> to vector<1024x256xi1>
    %broadcast_in_dim3A_307 = vector.broadcast %jit3A_304 : f32 to vector<1024x256xf32>
    %select_n3A_308 = arith.select %broadcast_in_dim3A_306, %mul3A_303, %broadcast_in_dim3A_307 : vector<1024x256xi1>, vector<1024x256xf32>
    %add3A_309 = arith.addf %get3A_3, %select_n3A_308 : vector<1024x256xf32>
    %swap3A = arith.constant 0 : index
    %swap3A_310 = arith.constant 0 : index
    %swap3A_311 = arith.constant 0 : index
    %swap3A_312 = vector.load %arg21[%swap3A, %swap3A_310, %swap3A_311] : memref<1x1024x256xf32, #tpu.memory_space<vmem>>, vector<1x1024x256xf32>
    %swap3A_313 = vector.shape_cast %swap3A_312 : vector<1x1024x256xf32> to vector<1024x256xf32>
    %swap3A_314 = vector.shape_cast %add3A_309 : vector<1024x256xf32> to vector<1x1024x256xf32>
    tpu.vector_store %arg21[%swap3A, %swap3A_310, %swap3A_311], %swap3A_314 {strides = array<i32>} : memref<1x1024x256xf32, #tpu.memory_space<vmem>>, vector<1x1024x256xf32>,
    return
  }
  func.func @transform_0(%arg0: i32) -> (i32, i32, i32) {
    %c0_i32 = arith.constant 0 : i32
    %c0_i32_0 = arith.constant 0 : i32
    %c0_i32_1 = arith.constant 0 : i32
    return %arg0, %c0_i32, %c0_i32_0 : i32, i32, i32
  }
  func.func @transform_1(%arg0: i32) -> (i32, i32, i32) {
    %c0_i32 = arith.constant 0 : i32
    %c0_i32_0 = arith.constant 0 : i32
    %c0_i32_1 = arith.constant 0 : i32
    return %arg0, %c0_i32, %c0_i32_0 : i32, i32, i32
  }
  func.func @transform_2(%arg0: i32) -> (i32, i32, i32) {
    %c0_i32 = arith.constant 0 : i32
    %c0_i32_0 = arith.constant 0 : i32
    %c0_i32_1 = arith.constant 0 : i32
    return %arg0, %c0_i32, %c0_i32_0 : i32, i32, i32
  }
  func.func @transform_3(%arg0: i32) -> (i32, i32, i32) {
    %c0_i32 = arith.constant 0 : i32
    %c0_i32_0 = arith.constant 0 : i32
    %c0_i32_1 = arith.constant 0 : i32
    return %arg0, %c0_i32, %c0_i32_0 : i32, i32, i32
  }
  func.func @transform_4(%arg0: i32) -> (i32, i32) {
    %c0_i32 = arith.constant 0 : i32
    %c0_i32_0 = arith.constant 0 : i32
    %c0_i32_1 = arith.constant 0 : i32
    return %c0_i32, %c0_i32_0 : i32, i32
  }
  func.func @transform_5(%arg0: i32) -> (i32, i32) {
    %c0_i32 = arith.constant 0 : i32
    %c0_i32_0 = arith.constant 0 : i32
    %c0_i32_1 = arith.constant 0 : i32
    return %c0_i32, %c0_i32_0 : i32, i32
  }
  func.func @transform_6(%arg0: i32) -> (i32, i32) {
    %c0_i32 = arith.constant 0 : i32
    %c0_i32_0 = arith.constant 0 : i32
    %c0_i32_1 = arith.constant 0 : i32
    return %c0_i32, %c0_i32_0 : i32, i32
  }
  func.func @transform_7(%arg0: i32) -> (i32, i32) {
    %c0_i32 = arith.constant 0 : i32
    %c0_i32_0 = arith.constant 0 : i32
    %c0_i32_1 = arith.constant 0 : i32
    return %c0_i32, %c0_i32_0 : i32, i32
  }
  func.func @transform_8(%arg0: i32) -> (i32, i32) {
    %c0_i32 = arith.constant 0 : i32
    %c0_i32_0 = arith.constant 0 : i32
    %c0_i32_1 = arith.constant 0 : i32
    return %c0_i32, %c0_i32_0 : i32, i32
  }
  func.func @transform_9(%arg0: i32) -> (i32, i32) {
    %c0_i32 = arith.constant 0 : i32
    %c0_i32_0 = arith.constant 0 : i32
    %c0_i32_1 = arith.constant 0 : i32
    return %c0_i32, %c0_i32_0 : i32, i32
  }
  func.func @transform_10(%arg0: i32) -> (i32, i32) {
    %c0_i32 = arith.constant 0 : i32
    %c0_i32_0 = arith.constant 0 : i32
    %c0_i32_1 = arith.constant 0 : i32
    return %c0_i32, %c0_i32_0 : i32, i32
  }
  func.func @transform_11(%arg0: i32) -> (i32, i32) {
    %c0_i32 = arith.constant 0 : i32
    %c0_i32_0 = arith.constant 0 : i32
    %c0_i32_1 = arith.constant 0 : i32
    return %c0_i32, %c0_i32_0 : i32, i32
  }
  func.func @transform_12(%arg0: i32) -> (i32, i32) {
    %c0_i32 = arith.constant 0 : i32
    %c0_i32_0 = arith.constant 0 : i32
    %c0_i32_1 = arith.constant 0 : i32
    return %c0_i32, %c0_i32_0 : i32, i32
  }
  func.func @transform_13(%arg0: i32) -> (i32, i32) {
    %c0_i32 = arith.constant 0 : i32
    %c0_i32_0 = arith.constant 0 : i32
    %c0_i32_1 = arith.constant 0 : i32
    return %c0_i32, %c0_i32_0 : i32, i32
  }
  func.func @transform_14(%arg0: i32) -> (i32, i32) {
    %c0_i32 = arith.constant 0 : i32
    %c0_i32_0 = arith.constant 0 : i32
    %c0_i32_1 = arith.constant 0 : i32
    return %c0_i32, %c0_i32_0 : i32, i32
  }
  func.func @transform_15(%arg0: i32) -> (i32, i32) {
    %c0_i32 = arith.constant 0 : i32
    %c0_i32_0 = arith.constant 0 : i32
    %c0_i32_1 = arith.constant 0 : i32
    return %c0_i32, %c0_i32_0 : i32, i32
  }
  func.func @transform_16(%arg0: i32) -> (i32, i32) {
    %c0_i32 = arith.constant 0 : i32
    %c0_i32_0 = arith.constant 0 : i32
    %c0_i32_1 = arith.constant 0 : i32
    return %c0_i32, %c0_i32_0 : i32, i32
  }
  func.func @transform_17(%arg0: i32) -> (i32, i32) {
    %c0_i32 = arith.constant 0 : i32
    %c0_i32_0 = arith.constant 0 : i32
    %c0_i32_1 = arith.constant 0 : i32
    return %c0_i32, %c0_i32_0 : i32, i32
  }
  func.func @transform_18(%arg0: i32) -> (i32, i32) {
    %c0_i32 = arith.constant 0 : i32
    %c0_i32_0 = arith.constant 0 : i32
    %c0_i32_1 = arith.constant 0 : i32
    return %c0_i32, %c0_i32_0 : i32, i32
  }
  func.func @transform_19(%arg0: i32) -> (i32, i32) {
    %c0_i32 = arith.constant 0 : i32
    %c0_i32_0 = arith.constant 0 : i32
    %c0_i32_1 = arith.constant 0 : i32
    return %c0_i32, %c0_i32_0 : i32, i32
  }
  func.func @transform_20(%arg0: i32) -> (i32, i32, i32) {
    %c0_i32 = arith.constant 0 : i32
    %c0_i32_0 = arith.constant 0 : i32
    %c0_i32_1 = arith.constant 0 : i32
    return %arg0, %c0_i32, %c0_i32_0 : i32, i32, i32
  }
}

</mosaic_0001>

<sc_bundles>
// kernel: kernel.6.cloned.1.call-start
scs
__scs_entry_jumppad:
0x0: {  	(pc) =	sbr.rel $0x88, $3  }
0x1: {  	(tag) =	ssettag $0x0;
	lr =	simm.s32 $0x1  }
0x2: {  	[smem:$0x3F8D] =	sst lr;
	_ =	strace $0xD0000000  }
0x3: {  	_ = 	snop  }
0x4: {  	_ = 	snop  }
0x5: {  	_ = 	snop  }
0x6: {  	_ = 	snop  }
0x7: {  	_ = 	snop  }
__scs_overlays_trampoline_lowered:
0x8: {  	[smem:$0x3F9C] =	sst s0  }
0x9: {  	[smem:$0x3F9D] =	sst s1  }
0xa: {  	[smem:$0x3F9E] =	sst s2  }
0xb: {  	[smem:$0x3F9F] =	sst s3  }
0xc: {  	[smem:$0x3FA0] =	sst s4  }
0xd: {  	[smem:$0x3FA1] =	sst s5  }
0xe: {  	[smem:$0x3FA2] =	sst s6  }
0xf: {  	[smem:$0x3FA3] =	sst s7  }
0x10: {  	[smem:$0x3FA4] =	sst s8  }
0x11: {  	[smem:$0x3FA5] =	sst s9;
	s0 =	simm.s32 @!p0 $0x0  }
0x12: {  	s1 =	sld [smem:$0x3F8B];
	s0 =	simm.s32 @p0 $0x1  }
0x13: {  	[smem:$0x3FA6] =	sst s0;
	s0 =	simm.s32 @!p1 $0x0  }
0x14: {  	s2 =	sld [smem:$0x3F8A];
	s0 =	simm.s32 @p1 $0x1  }
0x15: {  	[smem:$0x3FA7] =	sst s0;
	s0 =	simm.s32 @!p2 $0x0  }
0x16: {  	s3 =	sld [smem:$0x3FDB];
	s0 =	simm.s32 @p2 $0x1  }
0x17: {  	s4 =	simm.s32 $0x1BF5;
	[smem:$0x3FA9] =	sst s0  }
0x18: {  	s0 =	sld [smem:$0x3F8C];
	_ =	swait.ge [sflag:s4], $0x0  }
0x19: {  	s7 =	sld [smem:$0x3F8D]  }
0x1a: {  	s8 =	sadd.s32 $0xFFFFE003, lr  }
0x1b: {  	s9 =	sadd.s32 $0xFFFFFEF7, lr;
	s5 =	simm.s32 $0xFFFFFFFF;
	p2 =	slt.u32 s8, $0xFFFFF086  }
0x1c: {  	p1 =	slt.u32 s9, $0xF7A;
	s5 =	simm.s32 @!p2 $0x0  }
0x1d: {  	s5 =	simm.s32 @p1 $0x1;
	p0 =	seq.s32 s7, s2  }
0x1e: {  	s7 =	smul.u32 @!p0 $0xF7A, s2;
	p2 =	seq.s32 @!p0 s5, $0x0  }
0x1f: {  	s9 =	smul.u32 $0xF7A, s1;
	s8 =	simm.s32 @!p0 $0x1BF5;
	p2 =	por !p2, p0  }
0x20: {  	[sflag:s8] =	ssyncset.s32 @!p0 $0xFFFFF086;
	s6 =	sadd.s32 @!p0 s3, s7;
	s7 =	simm.s32 @!p0 $0x108  }
0x21: {  	s3 =	sadd.s32 s3, s9;
	s6 =	sadd.s32 @!p0 $0x88, s6;
	s7 =	simm.s32 @p2 $0x1082  }
0x22: {  	[simem:s7], [sflag:s8] =	dma.local @!p0 [hbm:s6], $0xF7A  }
0x23: {  	s9 =	sor.u32 $0xD0000000, s2;
	s6 =	simm.s32 $0x108;
	_ =	swait.ge @!p0 [sflag:s8], $0x0  }
0x24: {  	s3 =	sadd.s32 $0x88, s3;
	s6 =	simm.s32 @!p1 $0x1082;
	[sflag:s4] =	ssyncset.s32 $0xFFFFF086  }
0x25: {  	[simem:s6], [sflag:s4] =	dma.local [hbm:s3], $0xF7A  }
0x26: {  	[smem:$0x3F8D] =	sst s1;
	(tag) =	ssettag s2;
	_ =	strace s9  }
0x27: {  	s1 =	sld [smem:$0x3F9D]  }
0x28: {  	s2 =	sld [smem:$0x3F9E]  }
0x29: {  	s4 =	sld [smem:$0x3FA0]  }
0x2a: {  	p0 =	seq.s32 s5, $0x0;
	s5 =	sld [smem:$0x3FA1]  }
0x2b: {  	s6 =	sld [smem:$0x3FA2]  }
0x2c: {  	s7 =	sld [smem:$0x3FA3]  }
0x2d: {  	s3 =	simm.s32 $0x108;
	s8 =	sld [smem:$0x3FA4]  }
0x2e: {  	s3 =	simm.s32 @!p0 $0x1082;
	s9 =	sld [smem:$0x3FA5]  }
0x2f: {  	lr =	sadd.s32 s0, s3;
	s0 =	sld [smem:$0x3F9C]  }
0x30: {  	s3 =	sld [smem:$0x3F9F]  }
0x31: {  	[smem:$0x3FA8] =	sst s10  }
0x32: {  	s10 =	sld [smem:$0x3FA6];
	_ =	sdelay $0x3  }
0x33: {  	p0 =	seq.s32 s10, $0x1;
	s10 =	sld [smem:$0x3FA8];
	_ =	sdelay $0x3  }
0x34: {  	[smem:$0x3FA8] =	sst s10  }
0x35: {  	s10 =	sld [smem:$0x3FA7];
	_ =	sdelay $0x3  }
0x36: {  	p1 =	seq.s32 s10, $0x1;
	s10 =	sld [smem:$0x3FA8];
	_ =	sdelay $0x3  }
0x37: {  	[smem:$0x3FA8] =	sst s10  }
0x38: {  	s10 =	sld [smem:$0x3FA9]  }
0x39: {  	_ = 	snop;
	(pc) =	sbr.ind lr, $3  }
0x3a: {  	_ = 	snop  }
0x3b: {  	_ = 	snop  }
0x3c: {  	p2 =	seq.s32 s10, $0x1;
	s10 =	sld [smem:$0x3FA8]  }
0x3d: {  	_ =	shalt  }
0x3e: {  	_ =	shalt  }
0x3f: {  	_ =	shalt  }
0x40: {  	_ =	shalt  }
0x41: {  	_ =	shalt  }
0x42: {  	_ =	shalt  }
0x43: {  	_ =	shalt  }
0x44: {  	_ =	shalt  }
0x45: {  	_ =	shalt  }
0x46: {  	_ =	shalt  }
0x47: {  	_ =	shalt  }
0x48: {  	_ =	shalt  }
0x49: {  	_ =	shalt  }
0x4a: {  	_ =	shalt  }
0x4b: {  	_ =	shalt  }
0x4c: {  	_ =	shalt  }
0x4d: {  	_ =	shalt  }
0x4e: {  	_ =	shalt  }
0x4f: {  	_ =	shalt  }
0x50: {  	_ =	shalt  }
0x51: {  	_ =	shalt  }
0x52: {  	_ =	shalt  }
0x53: {  	_ =	shalt  }
0x54: {  	_ =	shalt  }
0x55: {  	_ =	shalt  }
0x56: {  	_ =	shalt  }
0x57: {  	_ =	shalt  }
0x58: {  	_ =	shalt  }
0x59: {  	_ =	shalt  }
0x5a: {  	_ =	shalt  }
0x5b: {  	_ =	shalt  }
0x5c: {  	_ =	shalt  }
0x5d: {  	_ =	shalt  }
0x5e: {  	_ =	shalt  }
0x5f: {  	_ =	shalt  }
0x60: {  	_ =	shalt  }
0x61: {  	_ =	shalt  }
0x62: {  	_ =	shalt  }
0x63: {  	_ =	shalt  }
0x64: {  	_ =	shalt  }
0x65: {  	_ =	shalt  }
0x66: {  	_ =	shalt  }
0x67: {  	_ =	shalt  }
0x68: {  	_ =	shalt  }
0x69: {  	_ =	shalt  }
0x6a: {  	_ =	shalt  }
0x6b: {  	_ =	shalt  }
0x6c: {  	_ =	shalt  }
0x6d: {  	_ =	shalt  }
0x6e: {  	_ =	shalt  }
0x6f: {  	_ =	shalt  }
0x70: {  	_ =	shalt  }
0x71: {  	_ =	shalt  }
0x72: {  	_ =	shalt  }
0x73: {  	_ =	shalt  }
0x74: {  	_ =	shalt  }
0x75: {  	_ =	shalt  }
0x76: {  	_ =	shalt  }
0x77: {  	_ =	shalt  }
0x78: {  	_ =	shalt  }
0x79: {  	_ =	shalt  }
0x7a: {  	_ =	shalt  }
0x7b: {  	_ =	shalt  }
0x7c: {  	_ =	shalt  }
0x7d: {  	_ =	shalt  }
0x7e: {  	_ =	shalt  }
0x7f: {  	_ =	shalt  }
0x80: {  	_ =	shalt  }
0x81: {  	_ =	shalt  }
0x82: {  	_ =	shalt  }
0x83: {  	_ =	shalt  }
0x84: {  	_ =	shalt  }
0x85: {  	_ =	shalt  }
0x86: {  	_ =	shalt  }
0x87: {  	_ =	shalt  }
.Lfunc_end0:
.L_simem_size_0:
called_computation_lowered:
.L_overlay_start_0:
0x88: {  	s2 =	sld [smem:$0x3FD9]  }
0x89: {  	s3 =	sld [smem:$0x3FFE];
	_ =	sdelay $0x1  }
0x8a: {  	s1 =	srdreg.scid  }
0x8b: {  	s0 =	sand.u32 $0x1, s1  }
0x8c: {  	s17 =	sshll.u32 s0, $0xA;
	s2 =	sadd.s32 s3, s2  }
0x8d: {  	s2 =	sadd.s32 s2, s17  }
0x8e: {  	[smem:$0x3FB4] =	sst s2  }
0x8f: {  	_ = 	snop  }
0x90: {  	s2 =	sld [smem:$0x3FC9]  }
0x91: {  	s18 =	sld [smem:$0x3FD0];
	(tm) =	ssettm $0x1  }
0x92: {  	s4 =	sld [smem:$0x3FFB];
	_ =	sdelay $0x3  }
0x93: {  	_ =	strace s4  }
0x94: {  	s4 =	sld [smem:$0x3FFC];
	_ =	sdelay $0x3  }
0x95: {  	_ =	strace s4  }
0x96: {  	s4 =	sld [smem:$0x3FFD];
	_ =	sdelay $0x3  }
0x97: {  	_ =	strace s4  }
0x98: {  	_ =	strace $0x8FFFFFFF  }
0x99: {  	s19 =	sld [smem:$0x3FDB];
	_ =	sdelay $0x1  }
0x9a: {  	s5 =	simm.s32 $_scs_section_size  }
0x9b: {  	s6 =	simm.s32 $_size__tile_overlayer_lowered;
	s7 =	simm.s32 $_tile_overlayer_lowered  }
0x9c: {  	s22 =	simm.s32 $0x1BFF;
	s21 =	sshll.u32 s7, $0x1;
	s4 =	sadd.s32 s5, s19  }
0x9d: {  	s8 =	simm.s32 $0x0;
	s20 =	sshll.u32 s6, $0x1;
	s6 =	sadd.s32 s21, s4  }
0x9e: {  	[timem:s8], [sflag:s22] =	dma.local [hbm:s6], s20  }
0x9f: {  	_ =	swait.ge [sflag:s22], s20  }
0xa0: {  	s5 =	ssub.s32 $0x0, s20;
	[sflag:s22] =	ssyncset.done $0x0  }
0xa1: {  	[sflag:s22] =	ssyncadd.s32 s5;
	_ =	sdelay $0x1  }
0xa2: {  	s23 =	simm.s32 $0x1B8B  }
0xa3: {  	_ =	swait.ge [sflag:s23], $0x1  }
0xa4: {  	[sflag:s23] =	ssyncset.done $0x0  }
0xa5: {  	s25 =	simm.s32 $0x1B8E;
	s24 =	sld [smem:$0x3FFE];
	[sflag:s23] =	ssyncadd.s32 $0xFFFFFFFF  }
0xa6: {  	s26 =	simm.s32 $execute0_lowered;
	[smem:$0x3FD2] =	sst s25  }
0xa7: {  	s6 =	sshll.u32 s26, $0x1;
	_ =	strace $0x80000046;
	[dreg:$0x1] =	wrdreg $0xFFFFFFFF  }
0xa8: {  	s28 =	simm.s32 $_size_execute0_lowered;
	s4 =	sadd.s32 s4, s6;
	[dreg:$0x0] =	wrdreg $0x0  }
0xa9: {  	s6 =	sshll.u32 s28, $0x1;
	[dreg:$0x2] =	wrdreg s4  }
0xaa: {  	[dreg:$0x3] =	wrdreg s6  }
0xab: {  	[dreg:$0x4] =	wrdreg $0xC0  }
0xac: {  	_ =	task [dreg:s8], $0x5FFFF  }
0xad: {  	[dreg:$0x1] =	wrdreg $0xFFFFFFFF  }
0xae: {  	[dreg:$0x0] =	wrdreg $0x60  }
0xaf: {  	[dreg:$0x2] =	wrdreg s2  }
0xb0: {  	[dreg:$0x3] =	wrdreg s24  }
0xb1: {  	[dreg:$0x4] =	wrdreg s18  }
0xb2: {  	[dreg:$0x5] =	wrdreg $0x9  }
0xb3: {  	_ =	task.clear_ibuf [dreg:s8], $0x6FFFF;
	_ =	strace $0x90000046  }
0xb4: {  	s29 =	simm.s32 $0x9;
	_ =	strace $0x80000048  }
0xb5: {  	_ =	swait.ge [sflag:s29], $0x1  }
0xb6: {  	[sflag:s29] =	ssyncadd.s32 $0xFFFFFFFF  }
0xb7: {  	_ =	strace $0x90000048  }
0xb8: {  	_ =	sfence  }
0xb9: {  	s30 =	sld [smem:$0x0];
	_ =	sdelay $0x2  }
0xba: {  	s31 =	sshll.u32 s1, $0xD;
	s1 =	sshrl.u32 s1, $0x2  }
0xbb: {  	s3 =	sand.u32 $0x4000, s31;
	s1 =	sadd.s32 s1, s30  }
0xbc: {  	s0 =	sor.u32 s3, s0;
	s1 =	sshll.u32 s1, $0x11  }
0xbd: {  	s0 =	sor.u32 s1, s0  }
0xbe: {  	s0 =	sadd.s32 $0x8F2B, s0  }
0xbf: {  	[sflag:s0] =	ssyncadd.remote.s32 $0x1  }
0xc0: {  	_ =	sfence.sel $0xFFFF  }
0xc1: {  	[dreg:$0x0] =	wrdreg $0xFFFFFFFF;
	(pc) =	sbr.abs _section_cstart, $3  }
0xc2: {  	[dreg:$0x1] =	wrdreg $0xFFFFFFFF  }
0xc3: {  	_ =	task.clear_ibuf [dreg:s8], $0x2FFFF;
	_ =	strace $0x9FFFFFFF  }
0xc4: {  	(tm) =	ssettm $0x7FFFFFFF  }
0xc5: {  	_ =	shalt  }
tec
execute0_lowered:
.L_overlay_start_1:
0x0: {  	(tag) =	ssettag $0x1  }
0x1: {  	s1 =	rddreg [dreg:$0x0]  }
0x2: {  	s4 =	rddreg [dreg:$0x1]  }
0x3: {  	s5 =	rddreg [dreg:$0x2];
	s3 =	srdreg.scid  }
0x4: {  	s0 =	rddreg [dreg:$0x3];
	s2 =	stileid.u32;
	s10 =	simm.s32 $0x1080  }
0x5: {  	s11 =	simm.s32 $0x1880;
	s12 =	simm.s32 $0x2080;
	s13 =	simm.s32 $0x2880  }
0x6: {  	s14 =	simm.s32 $0x3080;
	s15 =	simm.s32 $0x3880;
	s16 =	simm.s32 $0x4080  }
0x7: {  	s17 =	simm.s32 $0x4880;
	s18 =	simm.s32 $0x5080;
	s19 =	simm.s32 $0x5880  }
0x8: {  	s20 =	simm.s32 $0x6080;
	s21 =	simm.s32 $0x6880;
	s22 =	simm.s32 $0x7080  }
0x9: {  	s23 =	simm.s32 $0x7880;
	s24 =	simm.s32 $0x1;
	s6 =	sand.u32 $0x1, s3  }
0xa: {  	s3 =	simm.s32 $0x0;
	s7 =	sshll.u32 s2, $0x8;
	s8 =	sshll.u32 s6, $0x7  }
0xb: {  	[smem:$0x7FF] =	sst s3;
	s6 =	ssub.s32 $0x2, s6;
	s7 =	sor.u32 s8, s7  }
0xc: {  	_ =	strace $0x80000047;
	s9 =	sshrl.u32 s6, $0x1;
	s8 =	sshrl.u32 s7, $0x3  }
0xd: {  	v2 =	vlaneseq.u32;
	s6 =	ssub.s32 s6, s9;
	s7 =	sshll.u32 s7, $0x5;
	s9 =	simm.s32 $0x880  }
0xe: {  	vm0 =	vmmov $0xffff;
	v1 =	vshrl.u32 v2, $0x3;
	s4 =	sadd.s32 s8, s4;
	s5 =	sadd.s32 s5, s7;
	s6 =	smax.u32 s6, $0x1  }
0xf: {  	v0 =	vand.u32 $0x7, v2;
	v2 =	vor.u32 $0x8, v2;
	v1 =	vmul.u32 $0x8, v1;
	s7 =	simm.s32 $0x2;
	s8 =	simm.s32 $0x80;
	s4 =	sadd.s32 $0x3C00, s4  }
.LBB2_1:
0x10: {  	[tilespmem:s3], [sflag:$0x2] =	stream.linear.gather [hbm4b:s4+s3], $0x80, $0x38;
	[tilespmem:$0x8080] =	vst v63  }
0x11: {  	_ =	swait.ge [sflag:s7], $0x80  }
0x12: {  	[sflag:s7] =	ssyncset.done $0x0  }
0x13: {  	[sflag:s7] =	ssyncadd.s32 $0xFFFFFF80  }
0x14: {  	v3 =	vld [tilespmem:$0x0];
	_ =	sdelay $0x4  }
0x15: {  	v4 =	vshll.u32 v3, $0x1  }
0x16: {  	v3 =	vand.u32 $0x7, v3;
	v4 =	vand.u32 $0xFFFFFFF0, v4  }
0x17: {  	v3 =	vor.u32 v3, v4  }
0x18: {  	v4 =	vperm.xlane v3, v0;
	_ =	sdelay $0x1  }
0x19: {  	v3 =	vperm.xlane v3, v2;
	v4 =	vadd.s32 v1, v4;
	_ =	sdelay $0x1  }
0x1a: {  	v3 =	vadd.s32 v1, v3;
	_ =	sdelay $0x2  }
0x1b: {  	[tilespmem:s8], [sflag:$0x1] =	stream.indirect_vreg.gather [hbm4b:s1+s3], $0x80, v4, vm0, $0xb8;
	[tilespmem:$0x8080] =	vst v63  }
0x1c: {  	_ = 	snop  }
0x1d: {  	[tilespmem:s9], [sflag:$0x1] =	stream.indirect_vreg.gather [hbm4b:s1+s3], $0x80, v3, vm0, $0xb8;
	[tilespmem:$0x8080] =	vst v63  }
0x1e: {  	v3 =	vld [tilespmem:$0x10];
	_ =	sdelay $0x4  }
0x1f: {  	v57 =	vshll.u32 v3, $0x1  }
0x20: {  	v3 =	vand.u32 $0x7, v3;
	v4 =	vand.u32 $0xFFFFFFF0, v57  }
0x21: {  	v3 =	vor.u32 v3, v4  }
0x22: {  	v4 =	vperm.xlane v3, v0;
	_ =	sdelay $0x1  }
0x23: {  	v3 =	vperm.xlane v3, v2;
	v4 =	vadd.s32 v1, v4;
	_ =	sdelay $0x1  }
0x24: {  	v3 =	vadd.s32 v1, v3;
	_ =	sdelay $0x2  }
0x25: {  	[tilespmem:s10], [sflag:$0x1] =	stream.indirect_vreg.gather [hbm4b:s1+s3], $0x80, v4, vm0, $0xb8;
	[tilespmem:$0x8080] =	vst v63  }
0x26: {  	_ = 	snop  }
0x27: {  	[tilespmem:s11], [sflag:$0x1] =	stream.indirect_vreg.gather [hbm4b:s1+s3], $0x80, v3, vm0, $0xb8;
	[tilespmem:$0x8080] =	vst v63  }
0x28: {  	v3 =	vld [tilespmem:$0x20];
	_ =	sdelay $0x4  }
0x29: {  	v58 =	vshll.u32 v3, $0x1  }
0x2a: {  	v3 =	vand.u32 $0x7, v3;
	v4 =	vand.u32 $0xFFFFFFF0, v58  }
0x2b: {  	v3 =	vor.u32 v3, v4  }
0x2c: {  	v4 =	vperm.xlane v3, v0;
	_ =	sdelay $0x1  }
0x2d: {  	v3 =	vperm.xlane v3, v2;
	v4 =	vadd.s32 v1, v4;
	_ =	sdelay $0x1  }
0x2e: {  	v3 =	vadd.s32 v1, v3;
	_ =	sdelay $0x2  }
0x2f: {  	[tilespmem:s12], [sflag:$0x1] =	stream.indirect_vreg.gather [hbm4b:s1+s3], $0x80, v4, vm0, $0xb8;
	[tilespmem:$0x8080] =	vst v63  }
0x30: {  	_ = 	snop  }
0x31: {  	[tilespmem:s13], [sflag:$0x1] =	stream.indirect_vreg.gather [hbm4b:s1+s3], $0x80, v3, vm0, $0xb8;
	[tilespmem:$0x8080] =	vst v63  }
0x32: {  	v3 =	vld [tilespmem:$0x30];
	_ =	sdelay $0x4  }
0x33: {  	v59 =	vshll.u32 v3, $0x1  }
0x34: {  	v3 =	vand.u32 $0x7, v3;
	v4 =	vand.u32 $0xFFFFFFF0, v59  }
0x35: {  	v3 =	vor.u32 v3, v4  }
0x36: {  	v4 =	vperm.xlane v3, v0;
	_ =	sdelay $0x1  }
0x37: {  	v3 =	vperm.xlane v3, v2;
	v4 =	vadd.s32 v1, v4;
	_ =	sdelay $0x1  }
0x38: {  	v3 =	vadd.s32 v1, v3;
	_ =	sdelay $0x2  }
0x39: {  	[tilespmem:s14], [sflag:$0x1] =	stream.indirect_vreg.gather [hbm4b:s1+s3], $0x80, v4, vm0, $0xb8;
	[tilespmem:$0x8080] =	vst v63  }
0x3a: {  	_ = 	snop  }
0x3b: {  	[tilespmem:s15], [sflag:$0x1] =	stream.indirect_vreg.gather [hbm4b:s1+s3], $0x80, v3, vm0, $0xb8;
	[tilespmem:$0x8080] =	vst v63  }
0x3c: {  	v3 =	vld [tilespmem:$0x40];
	_ =	sdelay $0x4  }
0x3d: {  	v60 =	vshll.u32 v3, $0x1  }
0x3e: {  	v3 =	vand.u32 $0x7, v3;
	v4 =	vand.u32 $0xFFFFFFF0, v60  }
0x3f: {  	v3 =	vor.u32 v3, v4  }
0x40: {  	v4 =	vperm.xlane v3, v0;
	_ =	sdelay $0x1  }
0x41: {  	v3 =	vperm.xlane v3, v2;
	v4 =	vadd.s32 v1, v4;
	_ =	sdelay $0x1  }
0x42: {  	v3 =	vadd.s32 v1, v3;
	_ =	sdelay $0x2  }
0x43: {  	[tilespmem:s16], [sflag:$0x1] =	stream.indirect_vreg.gather [hbm4b:s1+s3], $0x80, v4, vm0, $0xb8;
	[tilespmem:$0x8080] =	vst v63  }
0x44: {  	_ = 	snop  }
0x45: {  	[tilespmem:s17], [sflag:$0x1] =	stream.indirect_vreg.gather [hbm4b:s1+s3], $0x80, v3, vm0, $0xb8;
	[tilespmem:$0x8080] =	vst v63  }
0x46: {  	v3 =	vld [tilespmem:$0x50];
	_ =	sdelay $0x4  }
0x47: {  	v61 =	vshll.u32 v3, $0x1  }
0x48: {  	v3 =	vand.u32 $0x7, v3;
	v4 =	vand.u32 $0xFFFFFFF0, v61  }
0x49: {  	v3 =	vor.u32 v3, v4  }
0x4a: {  	v4 =	vperm.xlane v3, v0;
	_ =	sdelay $0x1  }
0x4b: {  	v3 =	vperm.xlane v3, v2;
	v4 =	vadd.s32 v1, v4;
	_ =	sdelay $0x1  }
0x4c: {  	v3 =	vadd.s32 v1, v3;
	_ =	sdelay $0x2  }
0x4d: {  	[tilespmem:s18], [sflag:$0x1] =	stream.indirect_vreg.gather [hbm4b:s1+s3], $0x80, v4, vm0, $0xb8;
	[tilespmem:$0x8080] =	vst v63  }
0x4e: {  	_ = 	snop  }
0x4f: {  	[tilespmem:s19], [sflag:$0x1] =	stream.indirect_vreg.gather [hbm4b:s1+s3], $0x80, v3, vm0, $0xb8;
	[tilespmem:$0x8080] =	vst v63  }
0x50: {  	v3 =	vld [tilespmem:$0x60];
	_ =	sdelay $0x4  }
0x51: {  	v62 =	vshll.u32 v3, $0x1  }
0x52: {  	v3 =	vand.u32 $0x7, v3;
	v4 =	vand.u32 $0xFFFFFFF0, v62  }
0x53: {  	v3 =	vor.u32 v3, v4  }
0x54: {  	v4 =	vperm.xlane v3, v0;
	_ =	sdelay $0x1  }
0x55: {  	v3 =	vperm.xlane v3, v2;
	v4 =	vadd.s32 v1, v4;
	_ =	sdelay $0x1  }
0x56: {  	v3 =	vadd.s32 v1, v3;
	_ =	sdelay $0x2  }
0x57: {  	[tilespmem:s20], [sflag:$0x1] =	stream.indirect_vreg.gather [hbm4b:s1+s3], $0x80, v4, vm0, $0xb8;
	[tilespmem:$0x8080] =	vst v63  }
0x58: {  	_ = 	snop  }
0x59: {  	[tilespmem:s21], [sflag:$0x1] =	stream.indirect_vreg.gather [hbm4b:s1+s3], $0x80, v3, vm0, $0xb8;
	[tilespmem:$0x8080] =	vst v63  }
0x5a: {  	v3 =	vld [tilespmem:$0x70];
	_ =	sdelay $0x4  }
0x5b: {  	v63 =	vshll.u32 v3, $0x1  }
0x5c: {  	v3 =	vand.u32 $0x7, v3;
	v4 =	vand.u32 $0xFFFFFFF0, v63  }
0x5d: {  	v3 =	vor.u32 v3, v4  }
0x5e: {  	v4 =	vperm.xlane v3, v0;
	_ =	sdelay $0x1  }
0x5f: {  	v3 =	vperm.xlane v3, v2;
	v4 =	vadd.s32 v1, v4;
	_ =	sdelay $0x1  }
0x60: {  	v3 =	vadd.s32 v1, v3;
	_ =	sdelay $0x2  }
0x61: {  	[tilespmem:s22], [sflag:$0x1] =	stream.indirect_vreg.gather [hbm4b:s1+s3], $0x80, v4, vm0, $0xb8;
	[tilespmem:$0x8080] =	vst v63  }
0x62: {  	_ = 	snop  }
0x63: {  	[tilespmem:s23], [sflag:$0x1] =	stream.indirect_vreg.gather [hbm4b:s1+s3], $0x80, v3, vm0, $0xb8;
	[tilespmem:$0x8080] =	vst v63  }
0x64: {  	_ =	swait.ge [sflag:s24], $0x8000  }
0x65: {  	p0 =	sne.s32 s6, $0x1;
	[sflag:s24] =	ssyncset.done $0x0  }
.Ltmp0:
0x66: {  	[sflag:s24] =	ssyncadd.s32 $0xFFFF8000;
	(pc) =	sbr.rel @p0 .LBB2_1-.Ltmp0, $4  }
0x67: {  	[hbm4b:s5+s3] =	stream.linear.scatter [tilespmem:s8], [sflag:$0x2], $0x8000, $0x38;
	[tilespmem:$0x8080] =	vst v63  }
0x68: {  	_ =	swait.ge [sflag:s7], $0x8000  }
0x69: {  	[sflag:s7] =	ssyncset.done $0x0  }
0x6a: {  	s6 =	sadd.s32 $0xFFFFFFFF, s6;
	[sflag:s7] =	ssyncadd.s32 $0xFFFF8000  }
0x6b: {  	_ =	sfence.sel $0x180000  }
0x6c: {  	[bflag:$0x0] =	sbarrier.arrive $0xFFFF  }
0x6d: {  	p0 =	sne.s32 s2, $0x0;
	_ =	strace $0x90000047  }
0x6e: {  	s0 =	sadd.s32 @!p0 $0x100000, s0;
	[bflag:$0x2] =	sbarrier.arrive $0xFFFF  }
0x6f: {  	[sflag:s0] =	ssyncadd.tile.s32 @!p0 $0x1;
	_ =	shalt  }
.Lfunc_end2:
_tile_overlayer_lowered:
.L_overlay_start_2:
0x70: {  	(tag) =	ssettag $0x2  }
0x71: {  	s0 =	rddreg [dreg:$0x0];
	s2 =	stileid.u32  }
0x72: {  	s1 =	rddreg [dreg:$0x1];
	p0 =	sne.s32 s2, $0x0  }
0x73: {  	s3 =	rddreg [dreg:$0x2];
	[bflag:$0x3] =	sbarrier.arrive $0xFFFF;
	s2 =	simm.s32 @!p0 $0x1C02  }
0x74: {  	[timem:s3], [sflag:s2] =	dma.local @!p0 [hbm:s0], s1  }
0x75: {  	s0 =	simm.s32 @!p0 $0x2  }
0x76: {  	_ =	swait.ge @!p0 [sflag:s0], s1  }
0x77: {  	s1 =	ssub.s32 @!p0 $0x0, s1;
	[sflag:s0] =	ssyncset.done @!p0 $0x0  }
0x78: {  	[sflag:s0] =	ssyncadd.s32 @!p0 s1  }
0x79: {  	[bflag:$0x3] =	sbarrier.arrive $0xFFFF  }
0x7a: {  	_ =	shalt  }

// kernel: kernel.9.cloned.1.call-start
scs
__scs_entry_jumppad:
0x0: {  	(pc) =	sbr.rel $0x88, $3  }
0x1: {  	(tag) =	ssettag $0x0;
	lr =	simm.s32 $0x1  }
0x2: {  	[smem:$0x3F8D] =	sst lr;
	_ =	strace $0xD0000000  }
0x3: {  	_ = 	snop  }
0x4: {  	_ = 	snop  }
0x5: {  	_ = 	snop  }
0x6: {  	_ = 	snop  }
0x7: {  	_ = 	snop  }
__scs_overlays_trampoline_lowered:
0x8: {  	[smem:$0x3F9C] =	sst s0  }
0x9: {  	[smem:$0x3F9D] =	sst s1  }
0xa: {  	[smem:$0x3F9E] =	sst s2  }
0xb: {  	[smem:$0x3F9F] =	sst s3  }
0xc: {  	[smem:$0x3FA0] =	sst s4  }
0xd: {  	[smem:$0x3FA1] =	sst s5  }
0xe: {  	[smem:$0x3FA2] =	sst s6  }
0xf: {  	[smem:$0x3FA3] =	sst s7  }
0x10: {  	[smem:$0x3FA4] =	sst s8  }
0x11: {  	[smem:$0x3FA5] =	sst s9;
	s0 =	simm.s32 @!p0 $0x0  }
0x12: {  	s1 =	sld [smem:$0x3F8B];
	s0 =	simm.s32 @p0 $0x1  }
0x13: {  	[smem:$0x3FA6] =	sst s0;
	s0 =	simm.s32 @!p1 $0x0  }
0x14: {  	s2 =	sld [smem:$0x3F8A];
	s0 =	simm.s32 @p1 $0x1  }
0x15: {  	[smem:$0x3FA7] =	sst s0;
	s0 =	simm.s32 @!p2 $0x0  }
0x16: {  	s3 =	sld [smem:$0x3FDB];
	s0 =	simm.s32 @p2 $0x1  }
0x17: {  	s4 =	simm.s32 $0x1BF5;
	[smem:$0x3FA9] =	sst s0  }
0x18: {  	s0 =	sld [smem:$0x3F8C];
	_ =	swait.ge [sflag:s4], $0x0  }
0x19: {  	s7 =	sld [smem:$0x3F8D]  }
0x1a: {  	s8 =	sadd.s32 $0xFFFFE003, lr  }
0x1b: {  	s9 =	sadd.s32 $0xFFFFFEF7, lr;
	s5 =	simm.s32 $0xFFFFFFFF;
	p2 =	slt.u32 s8, $0xFFFFF086  }
0x1c: {  	p1 =	slt.u32 s9, $0xF7A;
	s5 =	simm.s32 @!p2 $0x0  }
0x1d: {  	s5 =	simm.s32 @p1 $0x1;
	p0 =	seq.s32 s7, s2  }
0x1e: {  	s7 =	smul.u32 @!p0 $0xF7A, s2;
	p2 =	seq.s32 @!p0 s5, $0x0  }
0x1f: {  	s9 =	smul.u32 $0xF7A, s1;
	s8 =	simm.s32 @!p0 $0x1BF5;
	p2 =	por !p2, p0  }
0x20: {  	[sflag:s8] =	ssyncset.s32 @!p0 $0xFFFFF086;
	s6 =	sadd.s32 @!p0 s3, s7;
	s7 =	simm.s32 @!p0 $0x108  }
0x21: {  	s3 =	sadd.s32 s3, s9;
	s6 =	sadd.s32 @!p0 $0x88, s6;
	s7 =	simm.s32 @p2 $0x1082  }
0x22: {  	[simem:s7], [sflag:s8] =	dma.local @!p0 [hbm:s6], $0xF7A  }
0x23: {  	s9 =	sor.u32 $0xD0000000, s2;
	s6 =	simm.s32 $0x108;
	_ =	swait.ge @!p0 [sflag:s8], $0x0  }
0x24: {  	s3 =	sadd.s32 $0x88, s3;
	s6 =	simm.s32 @!p1 $0x1082;
	[sflag:s4] =	ssyncset.s32 $0xFFFFF086  }
0x25: {  	[simem:s6], [sflag:s4] =	dma.local [hbm:s3], $0xF7A  }
0x26: {  	[smem:$0x3F8D] =	sst s1;
	(tag) =	ssettag s2;
	_ =	strace s9  }
0x27: {  	s1 =	sld [smem:$0x3F9D]  }
0x28: {  	s2 =	sld [smem:$0x3F9E]  }
0x29: {  	s4 =	sld [smem:$0x3FA0]  }
0x2a: {  	p0 =	seq.s32 s5, $0x0;
	s5 =	sld [smem:$0x3FA1]  }
0x2b: {  	s6 =	sld [smem:$0x3FA2]  }
0x2c: {  	s7 =	sld [smem:$0x3FA3]  }
0x2d: {  	s3 =	simm.s32 $0x108;
	s8 =	sld [smem:$0x3FA4]  }
0x2e: {  	s3 =	simm.s32 @!p0 $0x1082;
	s9 =	sld [smem:$0x3FA5]  }
0x2f: {  	lr =	sadd.s32 s0, s3;
	s0 =	sld [smem:$0x3F9C]  }
0x30: {  	s3 =	sld [smem:$0x3F9F]  }
0x31: {  	[smem:$0x3FA8] =	sst s10  }
0x32: {  	s10 =	sld [smem:$0x3FA6];
	_ =	sdelay $0x3  }
0x33: {  	p0 =	seq.s32 s10, $0x1;
	s10 =	sld [smem:$0x3FA8];
	_ =	sdelay $0x3  }
0x34: {  	[smem:$0x3FA8] =	sst s10  }
0x35: {  	s10 =	sld [smem:$0x3FA7];
	_ =	sdelay $0x3  }
0x36: {  	p1 =	seq.s32 s10, $0x1;
	s10 =	sld [smem:$0x3FA8];
	_ =	sdelay $0x3  }
0x37: {  	[smem:$0x3FA8] =	sst s10  }
0x38: {  	s10 =	sld [smem:$0x3FA9]  }
0x39: {  	_ = 	snop;
	(pc) =	sbr.ind lr, $3  }
0x3a: {  	_ = 	snop  }
0x3b: {  	_ = 	snop  }
0x3c: {  	p2 =	seq.s32 s10, $0x1;
	s10 =	sld [smem:$0x3FA8]  }
0x3d: {  	_ =	shalt  }
0x3e: {  	_ =	shalt  }
0x3f: {  	_ =	shalt  }
0x40: {  	_ =	shalt  }
0x41: {  	_ =	shalt  }
0x42: {  	_ =	shalt  }
0x43: {  	_ =	shalt  }
0x44: {  	_ =	shalt  }
0x45: {  	_ =	shalt  }
0x46: {  	_ =	shalt  }
0x47: {  	_ =	shalt  }
0x48: {  	_ =	shalt  }
0x49: {  	_ =	shalt  }
0x4a: {  	_ =	shalt  }
0x4b: {  	_ =	shalt  }
0x4c: {  	_ =	shalt  }
0x4d: {  	_ =	shalt  }
0x4e: {  	_ =	shalt  }
0x4f: {  	_ =	shalt  }
0x50: {  	_ =	shalt  }
0x51: {  	_ =	shalt  }
0x52: {  	_ =	shalt  }
0x53: {  	_ =	shalt  }
0x54: {  	_ =	shalt  }
0x55: {  	_ =	shalt  }
0x56: {  	_ =	shalt  }
0x57: {  	_ =	shalt  }
0x58: {  	_ =	shalt  }
0x59: {  	_ =	shalt  }
0x5a: {  	_ =	shalt  }
0x5b: {  	_ =	shalt  }
0x5c: {  	_ =	shalt  }
0x5d: {  	_ =	shalt  }
0x5e: {  	_ =	shalt  }
0x5f: {  	_ =	shalt  }
0x60: {  	_ =	shalt  }
0x61: {  	_ =	shalt  }
0x62: {  	_ =	shalt  }
0x63: {  	_ =	shalt  }
0x64: {  	_ =	shalt  }
0x65: {  	_ =	shalt  }
0x66: {  	_ =	shalt  }
0x67: {  	_ =	shalt  }
0x68: {  	_ =	shalt  }
0x69: {  	_ =	shalt  }
0x6a: {  	_ =	shalt  }
0x6b: {  	_ =	shalt  }
0x6c: {  	_ =	shalt  }
0x6d: {  	_ =	shalt  }
0x6e: {  	_ =	shalt  }
0x6f: {  	_ =	shalt  }
0x70: {  	_ =	shalt  }
0x71: {  	_ =	shalt  }
0x72: {  	_ =	shalt  }
0x73: {  	_ =	shalt  }
0x74: {  	_ =	shalt  }
0x75: {  	_ =	shalt  }
0x76: {  	_ =	shalt  }
0x77: {  	_ =	shalt  }
0x78: {  	_ =	shalt  }
0x79: {  	_ =	shalt  }
0x7a: {  	_ =	shalt  }
0x7b: {  	_ =	shalt  }
0x7c: {  	_ =	shalt  }
0x7d: {  	_ =	shalt  }
0x7e: {  	_ =	shalt  }
0x7f: {  	_ =	shalt  }
0x80: {  	_ =	shalt  }
0x81: {  	_ =	shalt  }
0x82: {  	_ =	shalt  }
0x83: {  	_ =	shalt  }
0x84: {  	_ =	shalt  }
0x85: {  	_ =	shalt  }
0x86: {  	_ =	shalt  }
0x87: {  	_ =	shalt  }
.Lfunc_end0:
.L_simem_size_0:
called_computation.1_lowered:
.L_overlay_start_0:
0x88: {  	s2 =	sld [smem:$0x3FD9]  }
0x89: {  	s3 =	sld [smem:$0x3FFE];
	_ =	sdelay $0x1  }
0x8a: {  	s1 =	srdreg.scid  }
0x8b: {  	s0 =	sand.u32 $0x1, s1  }
0x8c: {  	s17 =	sshll.u32 s0, $0xA;
	s2 =	sadd.s32 s3, s2  }
0x8d: {  	s2 =	sadd.s32 s2, s17  }
0x8e: {  	[smem:$0x3FB4] =	sst s2  }
0x8f: {  	_ = 	snop  }
0x90: {  	s2 =	sld [smem:$0x3FD0];
	(tm) =	ssettm $0x1  }
0x91: {  	s18 =	sld [smem:$0x3FFB];
	_ =	sdelay $0x3  }
0x92: {  	_ =	strace s18  }
0x93: {  	s3 =	sld [smem:$0x3FFC];
	_ =	sdelay $0x3  }
0x94: {  	_ =	strace s3  }
0x95: {  	s3 =	sld [smem:$0x3FFD];
	_ =	sdelay $0x3  }
0x96: {  	_ =	strace s3  }
0x97: {  	_ =	strace $0x8FFFFFFF  }
0x98: {  	s19 =	sld [smem:$0x3FDB];
	_ =	sdelay $0x1  }
0x99: {  	s4 =	simm.s32 $_scs_section_size  }
0x9a: {  	s5 =	simm.s32 $_size__tile_overlayer_lowered;
	s6 =	simm.s32 $_tile_overlayer_lowered  }
0x9b: {  	s22 =	simm.s32 $0x1BFF;
	s21 =	sshll.u32 s6, $0x1;
	s3 =	sadd.s32 s4, s19  }
0x9c: {  	s7 =	simm.s32 $0x0;
	s20 =	sshll.u32 s5, $0x1;
	s5 =	sadd.s32 s21, s3  }
0x9d: {  	[timem:s7], [sflag:s22] =	dma.local [hbm:s5], s20  }
0x9e: {  	_ =	swait.ge [sflag:s22], s20  }
0x9f: {  	s4 =	ssub.s32 $0x0, s20;
	[sflag:s22] =	ssyncset.done $0x0  }
0xa0: {  	[sflag:s22] =	ssyncadd.s32 s4;
	_ =	sdelay $0x1  }
0xa1: {  	s23 =	simm.s32 $0x1B8B  }
0xa2: {  	_ =	swait.ge [sflag:s23], $0x1  }
0xa3: {  	[sflag:s23] =	ssyncset.done $0x0  }
0xa4: {  	s25 =	simm.s32 $0x1B8E;
	s24 =	sld [smem:$0x3FFE];
	[sflag:s23] =	ssyncadd.s32 $0xFFFFFFFF  }
0xa5: {  	s26 =	simm.s32 $execute0_lowered;
	[smem:$0x3FD2] =	sst s25  }
0xa6: {  	s5 =	sshll.u32 s26, $0x1;
	_ =	strace $0x80000049;
	[dreg:$0x1] =	wrdreg $0xFFFFFFFF  }
0xa7: {  	s28 =	simm.s32 $_size_execute0_lowered;
	s3 =	sadd.s32 s3, s5;
	[dreg:$0x0] =	wrdreg $0x0  }
0xa8: {  	s5 =	sshll.u32 s28, $0x1;
	[dreg:$0x2] =	wrdreg s3  }
0xa9: {  	[dreg:$0x3] =	wrdreg s5  }
0xaa: {  	[dreg:$0x4] =	wrdreg $0xC0  }
0xab: {  	_ =	task [dreg:s7], $0x5FFFF  }
0xac: {  	[dreg:$0x1] =	wrdreg $0xFFFFFFFF  }
0xad: {  	[dreg:$0x0] =	wrdreg $0x60  }
0xae: {  	[dreg:$0x2] =	wrdreg s24  }
0xaf: {  	[dreg:$0x3] =	wrdreg s2  }
0xb0: {  	[dreg:$0x4] =	wrdreg $0x9  }
0xb1: {  	_ =	task.clear_ibuf [dreg:s7], $0x5FFFF;
	_ =	strace $0x90000049  }
0xb2: {  	s29 =	simm.s32 $0x9;
	_ =	strace $0x8000004B  }
0xb3: {  	_ =	swait.ge [sflag:s29], $0x1  }
0xb4: {  	[sflag:s29] =	ssyncadd.s32 $0xFFFFFFFF  }
0xb5: {  	_ =	strace $0x9000004B  }
0xb6: {  	_ =	sfence  }
0xb7: {  	s30 =	sld [smem:$0x0];
	_ =	sdelay $0x2  }
0xb8: {  	s31 =	sshll.u32 s1, $0xD;
	s1 =	sshrl.u32 s1, $0x2  }
0xb9: {  	s3 =	sand.u32 $0x4000, s31;
	s1 =	sadd.s32 s1, s30  }
0xba: {  	s0 =	sor.u32 s3, s0;
	s1 =	sshll.u32 s1, $0x11  }
0xbb: {  	s0 =	sor.u32 s1, s0  }
0xbc: {  	s0 =	sadd.s32 $0x8F2B, s0  }
0xbd: {  	[sflag:s0] =	ssyncadd.remote.s32 $0x1  }
0xbe: {  	_ =	sfence.sel $0xFFFF  }
0xbf: {  	[dreg:$0x0] =	wrdreg $0xFFFFFFFF;
	(pc) =	sbr.abs _section_cstart, $3  }
0xc0: {  	[dreg:$0x1] =	wrdreg $0xFFFFFFFF  }
0xc1: {  	_ =	task.clear_ibuf [dreg:s7], $0x2FFFF;
	_ =	strace $0x9FFFFFFF  }
0xc2: {  	(tm) =	ssettm $0x7FFFFFFF  }
0xc3: {  	_ =	shalt  }
tec
execute0_lowered:
.L_overlay_start_1:
0x0: {  	(tag) =	ssettag $0x1  }
0x1: {  	s1 =	srdreg.scid  }
0x2: {  	s0 =	stileid.u32;
	s3 =	rddreg [dreg:$0x0]  }
0x3: {  	s5 =	rddreg [dreg:$0x1];
	s19 =	simm.s32 $0x900;
	s20 =	simm.s32 $0x1100  }
0x4: {  	s21 =	simm.s32 $0x1900;
	s23 =	simm.s32 $0x2100;
	s24 =	simm.s32 $0x2900  }
0x5: {  	s25 =	simm.s32 $0x3100;
	s26 =	simm.s32 $0x3900;
	s8 =	simm.s32 $0x4900  }
0x6: {  	s9 =	simm.s32 $0x5100;
	s10 =	simm.s32 $0x5900;
	s11 =	simm.s32 $0x6100  }
0x7: {  	s12 =	simm.s32 $0x6900;
	s13 =	simm.s32 $0x7100;
	s14 =	simm.s32 $0x7900  }
0x8: {  	s15 =	simm.s32 $0x8100;
	s16 =	simm.s32 $0x8900;
	s1 =	sand.u32 $0x1, s1  }
0x9: {  	s17 =	simm.s32 $0x9100;
	s2 =	sshll.u32 s0, $0x9;
	s4 =	sshll.u32 s1, $0x8  }
0xa: {  	s18 =	simm.s32 $0x9900;
	s4 =	sor.u32 s4, s2;
	s2 =	simm.s32 $0x0  }
0xb: {  	s28 =	simm.s32 $0xE100;
	s29 =	simm.s32 $0xE900;
	[smem:$0x7FF] =	sst s2  }
0xc: {  	s30 =	simm.s32 $0xF100;
	_ =	strace $0x8000004A;
	[dreg:$0x5] =	wrdreg s19  }
0xd: {  	s31 =	simm.s32 $0xF900;
	s1 =	ssub.s32 $0x2, s1;
	[dreg:$0x6] =	wrdreg s20  }
0xe: {  	s22 =	sshrl.u32 s1, $0x1;
	s6 =	sshrl.u32 s4, $0x3;
	[dreg:$0x7] =	wrdreg s21  }
0xf: {  	s4 =	sshll.u32 s4, $0x5;
	s1 =	ssub.s32 s1, s22;
	[dreg:$0x8] =	wrdreg s23  }
0x10: {  	s22 =	simm.s32 $0xB900;
	s6 =	sadd.s32 s6, s3;
	[dreg:$0x9] =	wrdreg s24  }
0x11: {  	s4 =	sadd.s32 s5, s4;
	s3 =	sadd.s32 $0x4200, s3;
	[dreg:$0xa] =	wrdreg s25  }
0x12: {  	s5 =	simm.s32 $0x2;
	[dreg:$0xb] =	wrdreg s26;
	s19 =	simm.s32 $0xA100  }
0x13: {  	s20 =	simm.s32 $0xA900;
	s21 =	simm.s32 $0xB100;
	s23 =	simm.s32 $0xC100  }
0x14: {  	v2 =	vlaneseq.u32;
	s24 =	simm.s32 $0xC900;
	s25 =	simm.s32 $0xD100;
	s26 =	simm.s32 $0xD900  }
0x15: {  	vm0 =	vmmov $0xffff;
	v1 =	vshrl.u32 v2, $0x3;
	s6 =	sadd.s32 $0x3E00, s6;
	[dreg:$0x4] =	wrdreg s4;
	s4 =	smax.u32 s1, $0x1  }
0x16: {  	v0 =	vand.u32 $0x7, v2;
	v2 =	vor.u32 $0x8, v2;
	v1 =	vmul.u32 $0x8, v1;
	s1 =	simm.s32 $0x1;
	[dreg:$0x3] =	wrdreg s6;
	s6 =	simm.s32 $0x100  }
.LBB2_1:
0x17: {  	s0 =	rddreg [dreg:$0x3]  }
0x18: {  	[tilespmem:s2], [sflag:$0x2] =	stream.linear.gather [hbm4b:s0+s2], $0x100, $0x38;
	[tilespmem:$0x10100] =	vst v63  }
0x19: {  	_ =	swait.ge [sflag:s5], $0x100  }
0x1a: {  	[sflag:s5] =	ssyncset.done $0x0  }
0x1b: {  	[sflag:s5] =	ssyncadd.s32 $0xFFFFFF00  }
0x1c: {  	v3 =	vld [tilespmem:$0x0];
	_ =	sdelay $0x4  }
0x1d: {  	v4 =	vshll.u32 v3, $0x1  }
0x1e: {  	v3 =	vand.u32 $0x7, v3;
	v4 =	vand.u32 $0xFFFFFFF0, v4  }
0x1f: {  	v3 =	vor.u32 v3, v4  }
0x20: {  	v4 =	vperm.xlane v3, v0;
	_ =	sdelay $0x1  }
0x21: {  	v3 =	vperm.xlane v3, v2;
	v4 =	vadd.s32 v1, v4;
	_ =	sdelay $0x1  }
0x22: {  	v3 =	vadd.s32 v1, v3;
	_ =	sdelay $0x2  }
0x23: {  	[tilespmem:s6], [sflag:$0x1] =	stream.indirect_vreg.gather [hbm4b:s3+s2], $0x80, v4, vm0, $0xb8;
	[tilespmem:$0x10100] =	vst v63  }
0x24: {  	s7 =	rddreg [dreg:$0x5]  }
0x25: {  	[tilespmem:s7], [sflag:$0x1] =	stream.indirect_vreg.gather [hbm4b:s3+s2], $0x80, v3, vm0, $0xb8;
	[tilespmem:$0x10100] =	vst v63  }
0x26: {  	v3 =	vld [tilespmem:$0x10];
	_ =	sdelay $0x4  }
0x27: {  	v49 =	vshll.u32 v3, $0x1  }
0x28: {  	v3 =	vand.u32 $0x7, v3;
	v4 =	vand.u32 $0xFFFFFFF0, v49  }
0x29: {  	v3 =	vor.u32 v3, v4  }
0x2a: {  	v4 =	vperm.xlane v3, v0;
	_ =	sdelay $0x1  }
0x2b: {  	v3 =	vperm.xlane v3, v2;
	v4 =	vadd.s32 v1, v4;
	_ =	sdelay $0x1  }
0x2c: {  	v3 =	vadd.s32 v1, v3;
	_ =	sdelay $0x1  }
0x2d: {  	s0 =	rddreg [dreg:$0x6]  }
0x2e: {  	[tilespmem:s0], [sflag:$0x1] =	stream.indirect_vreg.gather [hbm4b:s3+s2], $0x80, v4, vm0, $0xb8;
	[tilespmem:$0x10100] =	vst v63  }
0x2f: {  	s7 =	rddreg [dreg:$0x7]  }
0x30: {  	[tilespmem:s7], [sflag:$0x1] =	stream.indirect_vreg.gather [hbm4b:s3+s2], $0x80, v3, vm0, $0xb8;
	[tilespmem:$0x10100] =	vst v63  }
0x31: {  	v3 =	vld [tilespmem:$0x20];
	_ =	sdelay $0x4  }
0x32: {  	v50 =	vshll.u32 v3, $0x1  }
0x33: {  	v3 =	vand.u32 $0x7, v3;
	v4 =	vand.u32 $0xFFFFFFF0, v50  }
0x34: {  	v3 =	vor.u32 v3, v4  }
0x35: {  	v4 =	vperm.xlane v3, v0;
	_ =	sdelay $0x1  }
0x36: {  	v3 =	vperm.xlane v3, v2;
	v4 =	vadd.s32 v1, v4;
	_ =	sdelay $0x1  }
0x37: {  	v3 =	vadd.s32 v1, v3;
	_ =	sdelay $0x1  }
0x38: {  	s0 =	rddreg [dreg:$0x8]  }
0x39: {  	[tilespmem:s0], [sflag:$0x1] =	stream.indirect_vreg.gather [hbm4b:s3+s2], $0x80, v4, vm0, $0xb8;
	[tilespmem:$0x10100] =	vst v63  }
0x3a: {  	s7 =	rddreg [dreg:$0x9]  }
0x3b: {  	[tilespmem:s7], [sflag:$0x1] =	stream.indirect_vreg.gather [hbm4b:s3+s2], $0x80, v3, vm0, $0xb8;
	[tilespmem:$0x10100] =	vst v63  }
0x3c: {  	v3 =	vld [tilespmem:$0x30];
	_ =	sdelay $0x4  }
0x3d: {  	v51 =	vshll.u32 v3, $0x1  }
0x3e: {  	v3 =	vand.u32 $0x7, v3;
	v4 =	vand.u32 $0xFFFFFFF0, v51  }
0x3f: {  	v3 =	vor.u32 v3, v4  }
0x40: {  	v4 =	vperm.xlane v3, v0;
	_ =	sdelay $0x1  }
0x41: {  	v3 =	vperm.xlane v3, v2;
	v4 =	vadd.s32 v1, v4;
	_ =	sdelay $0x1  }
0x42: {  	v3 =	vadd.s32 v1, v3;
	_ =	sdelay $0x1  }
0x43: {  	s0 =	rddreg [dreg:$0xa]  }
0x44: {  	[tilespmem:s0], [sflag:$0x1] =	stream.indirect_vreg.gather [hbm4b:s3+s2], $0x80, v4, vm0, $0xb8;
	[tilespmem:$0x10100] =	vst v63  }
0x45: {  	s7 =	rddreg [dreg:$0xb]  }
0x46: {  	[tilespmem:s7], [sflag:$0x1] =	stream.indirect_vreg.gather [hbm4b:s3+s2], $0x80, v3, vm0, $0xb8;
	[tilespmem:$0x10100] =	vst v63  }
0x47: {  	v3 =	vld [tilespmem:$0x40];
	_ =	sdelay $0x4  }
0x48: {  	v52 =	vshll.u32 v3, $0x1  }
0x49: {  	v3 =	vand.u32 $0x7, v3;
	v4 =	vand.u32 $0xFFFFFFF0, v52  }
0x4a: {  	v3 =	vor.u32 v3, v4  }
0x4b: {  	v4 =	vperm.xlane v3, v0;
	_ =	sdelay $0x1  }
0x4c: {  	v3 =	vperm.xlane v3, v2;
	v4 =	vadd.s32 v1, v4;
	_ =	sdelay $0x1  }
0x4d: {  	v3 =	vadd.s32 v1, v3;
	_ =	sdelay $0x1  }
0x4e: {  	s7 =	simm.s32 $0x4100  }
0x4f: {  	[tilespmem:s7], [sflag:$0x1] =	stream.indirect_vreg.gather [hbm4b:s3+s2], $0x80, v4, vm0, $0xb8;
	[tilespmem:$0x10100] =	vst v63  }
0x50: {  	_ = 	snop  }
0x51: {  	[tilespmem:s8], [sflag:$0x1] =	stream.indirect_vreg.gather [hbm4b:s3+s2], $0x80, v3, vm0, $0xb8;
	[tilespmem:$0x10100] =	vst v63  }
0x52: {  	v3 =	vld [tilespmem:$0x50];
	_ =	sdelay $0x4  }
0x53: {  	v53 =	vshll.u32 v3, $0x1  }
0x54: {  	v3 =	vand.u32 $0x7, v3;
	v4 =	vand.u32 $0xFFFFFFF0, v53  }
0x55: {  	v3 =	vor.u32 v3, v4  }
0x56: {  	v4 =	vperm.xlane v3, v0;
	_ =	sdelay $0x1  }
0x57: {  	v3 =	vperm.xlane v3, v2;
	v4 =	vadd.s32 v1, v4;
	_ =	sdelay $0x1  }
0x58: {  	v3 =	vadd.s32 v1, v3;
	_ =	sdelay $0x2  }
0x59: {  	[tilespmem:s9], [sflag:$0x1] =	stream.indirect_vreg.gather [hbm4b:s3+s2], $0x80, v4, vm0, $0xb8;
	[tilespmem:$0x10100] =	vst v63  }
0x5a: {  	_ = 	snop  }
0x5b: {  	[tilespmem:s10], [sflag:$0x1] =	stream.indirect_vreg.gather [hbm4b:s3+s2], $0x80, v3, vm0, $0xb8;
	[tilespmem:$0x10100] =	vst v63  }
0x5c: {  	v3 =	vld [tilespmem:$0x60];
	_ =	sdelay $0x4  }
0x5d: {  	v54 =	vshll.u32 v3, $0x1  }
0x5e: {  	v3 =	vand.u32 $0x7, v3;
	v4 =	vand.u32 $0xFFFFFFF0, v54  }
0x5f: {  	v3 =	vor.u32 v3, v4  }
0x60: {  	v4 =	vperm.xlane v3, v0;
	_ =	sdelay $0x1  }
0x61: {  	v3 =	vperm.xlane v3, v2;
	v4 =	vadd.s32 v1, v4;
	_ =	sdelay $0x1  }
0x62: {  	v3 =	vadd.s32 v1, v3;
	_ =	sdelay $0x2  }
0x63: {  	[tilespmem:s11], [sflag:$0x1] =	stream.indirect_vreg.gather [hbm4b:s3+s2], $0x80, v4, vm0, $0xb8;
	[tilespmem:$0x10100] =	vst v63  }
0x64: {  	_ = 	snop  }
0x65: {  	[tilespmem:s12], [sflag:$0x1] =	stream.indirect_vreg.gather [hbm4b:s3+s2], $0x80, v3, vm0, $0xb8;
	[tilespmem:$0x10100] =	vst v63  }
0x66: {  	v3 =	vld [tilespmem:$0x70];
	_ =	sdelay $0x4  }
0x67: {  	v55 =	vshll.u32 v3, $0x1  }
0x68: {  	v3 =	vand.u32 $0x7, v3;
	v4 =	vand.u32 $0xFFFFFFF0, v55  }
0x69: {  	v3 =	vor.u32 v3, v4  }
0x6a: {  	v4 =	vperm.xlane v3, v0;
	_ =	sdelay $0x1  }
0x6b: {  	v3 =	vperm.xlane v3, v2;
	v4 =	vadd.s32 v1, v4;
	_ =	sdelay $0x1  }
0x6c: {  	v3 =	vadd.s32 v1, v3;
	_ =	sdelay $0x2  }
0x6d: {  	[tilespmem:s13], [sflag:$0x1] =	stream.indirect_vreg.gather [hbm4b:s3+s2], $0x80, v4, vm0, $0xb8;
	[tilespmem:$0x10100] =	vst v63  }
0x6e: {  	_ = 	snop  }
0x6f: {  	[tilespmem:s14], [sflag:$0x1] =	stream.indirect_vreg.gather [hbm4b:s3+s2], $0x80, v3, vm0, $0xb8;
	[tilespmem:$0x10100] =	vst v63  }
0x70: {  	v3 =	vld [tilespmem:$0x80];
	_ =	sdelay $0x4  }
0x71: {  	v56 =	vshll.u32 v3, $0x1  }
0x72: {  	v3 =	vand.u32 $0x7, v3;
	v4 =	vand.u32 $0xFFFFFFF0, v56  }
0x73: {  	v3 =	vor.u32 v3, v4  }
0x74: {  	v4 =	vperm.xlane v3, v0;
	_ =	sdelay $0x1  }
0x75: {  	v3 =	vperm.xlane v3, v2;
	v4 =	vadd.s32 v1, v4;
	_ =	sdelay $0x1  }
0x76: {  	v3 =	vadd.s32 v1, v3;
	_ =	sdelay $0x2  }
0x77: {  	[tilespmem:s15], [sflag:$0x1] =	stream.indirect_vreg.gather [hbm4b:s3+s2], $0x80, v4, vm0, $0xb8;
	[tilespmem:$0x10100] =	vst v63  }
0x78: {  	_ = 	snop  }
0x79: {  	[tilespmem:s16], [sflag:$0x1] =	stream.indirect_vreg.gather [hbm4b:s3+s2], $0x80, v3, vm0, $0xb8;
	[tilespmem:$0x10100] =	vst v63  }
0x7a: {  	v3 =	vld [tilespmem:$0x90];
	_ =	sdelay $0x4  }
0x7b: {  	v57 =	vshll.u32 v3, $0x1  }
0x7c: {  	v3 =	vand.u32 $0x7, v3;
	v4 =	vand.u32 $0xFFFFFFF0, v57  }
0x7d: {  	v3 =	vor.u32 v3, v4  }
0x7e: {  	v4 =	vperm.xlane v3, v0;
	_ =	sdelay $0x1  }
0x7f: {  	v3 =	vperm.xlane v3, v2;
	v4 =	vadd.s32 v1, v4;
	_ =	sdelay $0x1  }
0x80: {  	v3 =	vadd.s32 v1, v3;
	_ =	sdelay $0x2  }
0x81: {  	[tilespmem:s17], [sflag:$0x1] =	stream.indirect_vreg.gather [hbm4b:s3+s2], $0x80, v4, vm0, $0xb8;
	[tilespmem:$0x10100] =	vst v63  }
0x82: {  	_ = 	snop  }
0x83: {  	[tilespmem:s18], [sflag:$0x1] =	stream.indirect_vreg.gather [hbm4b:s3+s2], $0x80, v3, vm0, $0xb8;
	[tilespmem:$0x10100] =	vst v63  }
0x84: {  	v3 =	vld [tilespmem:$0xA0];
	_ =	sdelay $0x4  }
0x85: {  	v58 =	vshll.u32 v3, $0x1  }
0x86: {  	v3 =	vand.u32 $0x7, v3;
	v4 =	vand.u32 $0xFFFFFFF0, v58  }
0x87: {  	v3 =	vor.u32 v3, v4  }
0x88: {  	v4 =	vperm.xlane v3, v0;
	_ =	sdelay $0x1  }
0x89: {  	v3 =	vperm.xlane v3, v2;
	v4 =	vadd.s32 v1, v4;
	_ =	sdelay $0x1  }
0x8a: {  	v3 =	vadd.s32 v1, v3;
	_ =	sdelay $0x2  }
0x8b: {  	[tilespmem:s19], [sflag:$0x1] =	stream.indirect_vreg.gather [hbm4b:s3+s2], $0x80, v4, vm0, $0xb8;
	[tilespmem:$0x10100] =	vst v63  }
0x8c: {  	_ = 	snop  }
0x8d: {  	[tilespmem:s20], [sflag:$0x1] =	stream.indirect_vreg.gather [hbm4b:s3+s2], $0x80, v3, vm0, $0xb8;
	[tilespmem:$0x10100] =	vst v63  }
0x8e: {  	v3 =	vld [tilespmem:$0xB0];
	_ =	sdelay $0x4  }
0x8f: {  	v59 =	vshll.u32 v3, $0x1  }
0x90: {  	v3 =	vand.u32 $0x7, v3;
	v4 =	vand.u32 $0xFFFFFFF0, v59  }
0x91: {  	v3 =	vor.u32 v3, v4  }
0x92: {  	v4 =	vperm.xlane v3, v0;
	_ =	sdelay $0x1  }
0x93: {  	v3 =	vperm.xlane v3, v2;
	v4 =	vadd.s32 v1, v4;
	_ =	sdelay $0x1  }
0x94: {  	v3 =	vadd.s32 v1, v3;
	_ =	sdelay $0x2  }
0x95: {  	[tilespmem:s21], [sflag:$0x1] =	stream.indirect_vreg.gather [hbm4b:s3+s2], $0x80, v4, vm0, $0xb8;
	[tilespmem:$0x10100] =	vst v63  }
0x96: {  	_ = 	snop  }
0x97: {  	[tilespmem:s22], [sflag:$0x1] =	stream.indirect_vreg.gather [hbm4b:s3+s2], $0x80, v3, vm0, $0xb8;
	[tilespmem:$0x10100] =	vst v63  }
0x98: {  	v3 =	vld [tilespmem:$0xC0];
	_ =	sdelay $0x4  }
0x99: {  	v60 =	vshll.u32 v3, $0x1  }
0x9a: {  	v3 =	vand.u32 $0x7, v3;
	v4 =	vand.u32 $0xFFFFFFF0, v60  }
0x9b: {  	v3 =	vor.u32 v3, v4  }
0x9c: {  	v4 =	vperm.xlane v3, v0;
	_ =	sdelay $0x1  }
0x9d: {  	v3 =	vperm.xlane v3, v2;
	v4 =	vadd.s32 v1, v4;
	_ =	sdelay $0x1  }
0x9e: {  	v3 =	vadd.s32 v1, v3;
	_ =	sdelay $0x2  }
0x9f: {  	[tilespmem:s23], [sflag:$0x1] =	stream.indirect_vreg.gather [hbm4b:s3+s2], $0x80, v4, vm0, $0xb8;
	[tilespmem:$0x10100] =	vst v63  }
0xa0: {  	_ = 	snop  }
0xa1: {  	[tilespmem:s24], [sflag:$0x1] =	stream.indirect_vreg.gather [hbm4b:s3+s2], $0x80, v3, vm0, $0xb8;
	[tilespmem:$0x10100] =	vst v63  }
0xa2: {  	v3 =	vld [tilespmem:$0xD0];
	_ =	sdelay $0x4  }
0xa3: {  	v61 =	vshll.u32 v3, $0x1  }
0xa4: {  	v3 =	vand.u32 $0x7, v3;
	v4 =	vand.u32 $0xFFFFFFF0, v61  }
0xa5: {  	v3 =	vor.u32 v3, v4  }
0xa6: {  	v4 =	vperm.xlane v3, v0;
	_ =	sdelay $0x1  }
0xa7: {  	v3 =	vperm.xlane v3, v2;
	v4 =	vadd.s32 v1, v4;
	_ =	sdelay $0x1  }
0xa8: {  	v3 =	vadd.s32 v1, v3;
	_ =	sdelay $0x2  }
0xa9: {  	[tilespmem:s25], [sflag:$0x1] =	stream.indirect_vreg.gather [hbm4b:s3+s2], $0x80, v4, vm0, $0xb8;
	[tilespmem:$0x10100] =	vst v63  }
0xaa: {  	_ = 	snop  }
0xab: {  	[tilespmem:s26], [sflag:$0x1] =	stream.indirect_vreg.gather [hbm4b:s3+s2], $0x80, v3, vm0, $0xb8;
	[tilespmem:$0x10100] =	vst v63  }
0xac: {  	v3 =	vld [tilespmem:$0xE0];
	_ =	sdelay $0x4  }
0xad: {  	v62 =	vshll.u32 v3, $0x1  }
0xae: {  	v3 =	vand.u32 $0x7, v3;
	v4 =	vand.u32 $0xFFFFFFF0, v62  }
0xaf: {  	v3 =	vor.u32 v3, v4  }
0xb0: {  	v4 =	vperm.xlane v3, v0;
	_ =	sdelay $0x1  }
0xb1: {  	v3 =	vperm.xlane v3, v2;
	v4 =	vadd.s32 v1, v4;
	_ =	sdelay $0x1  }
0xb2: {  	v3 =	vadd.s32 v1, v3;
	_ =	sdelay $0x2  }
0xb3: {  	[tilespmem:s28], [sflag:$0x1] =	stream.indirect_vreg.gather [hbm4b:s3+s2], $0x80, v4, vm0, $0xb8;
	[tilespmem:$0x10100] =	vst v63  }
0xb4: {  	_ = 	snop  }
0xb5: {  	[tilespmem:s29], [sflag:$0x1] =	stream.indirect_vreg.gather [hbm4b:s3+s2], $0x80, v3, vm0, $0xb8;
	[tilespmem:$0x10100] =	vst v63  }
0xb6: {  	v3 =	vld [tilespmem:$0xF0];
	_ =	sdelay $0x4  }
0xb7: {  	v63 =	vshll.u32 v3, $0x1  }
0xb8: {  	v3 =	vand.u32 $0x7, v3;
	v4 =	vand.u32 $0xFFFFFFF0, v63  }
0xb9: {  	v3 =	vor.u32 v3, v4  }
0xba: {  	v4 =	vperm.xlane v3, v0;
	_ =	sdelay $0x1  }
0xbb: {  	v3 =	vperm.xlane v3, v2;
	v4 =	vadd.s32 v1, v4;
	_ =	sdelay $0x1  }
0xbc: {  	v3 =	vadd.s32 v1, v3;
	_ =	sdelay $0x2  }
0xbd: {  	[tilespmem:s30], [sflag:$0x1] =	stream.indirect_vreg.gather [hbm4b:s3+s2], $0x80, v4, vm0, $0xb8;
	[tilespmem:$0x10100] =	vst v63  }
0xbe: {  	_ = 	snop  }
0xbf: {  	[tilespmem:s31], [sflag:$0x1] =	stream.indirect_vreg.gather [hbm4b:s3+s2], $0x80, v3, vm0, $0xb8;
	[tilespmem:$0x10100] =	vst v63  }
0xc0: {  	_ =	swait.ge [sflag:s1], $0x10000  }
0xc1: {  	p0 =	sne.s32 s4, $0x1;
	[sflag:s1] =	ssyncset.done $0x0  }
.Ltmp0:
0xc2: {  	s7 =	rddreg [dreg:$0x4];
	[sflag:s1] =	ssyncadd.s32 $0xFFFF0000;
	(pc) =	sbr.rel @p0 .LBB2_1-.Ltmp0, $4  }
0xc3: {  	[hbm4b:s7+s2] =	stream.linear.scatter [tilespmem:s6], [sflag:$0x2], $0x10000, $0x38;
	[tilespmem:$0x10100] =	vst v63  }
0xc4: {  	_ =	swait.ge [sflag:s5], $0x10000  }
0xc5: {  	[sflag:s5] =	ssyncset.done $0x0  }
0xc6: {  	s4 =	sadd.s32 $0xFFFFFFFF, s4;
	[sflag:s5] =	ssyncadd.s32 $0xFFFF0000  }
0xc7: {  	_ =	sfence.sel $0x180000  }
0xc8: {  	[bflag:$0x0] =	sbarrier.arrive $0xFFFF  }
0xc9: {  	_ =	strace $0x9000004A  }
0xca: {  	s0 =	stileid.u32;
	[bflag:$0x2] =	sbarrier.arrive $0xFFFF  }
0xcb: {  	p0 =	sne.s32 s0, $0x0;
	s0 =	rddreg [dreg:$0x2]  }
0xcc: {  	s0 =	sadd.s32 @!p0 $0x100000, s0  }
0xcd: {  	[sflag:s0] =	ssyncadd.tile.s32 @!p0 $0x1;
	_ =	shalt  }
.Lfunc_end2:
_tile_overlayer_lowered:
.L_overlay_start_2:
0xce: {  	(tag) =	ssettag $0x2  }
0xcf: {  	s0 =	rddreg [dreg:$0x0];
	s2 =	stileid.u32  }
0xd0: {  	s1 =	rddreg [dreg:$0x1];
	p0 =	sne.s32 s2, $0x0  }
0xd1: {  	s3 =	rddreg [dreg:$0x2];
	[bflag:$0x3] =	sbarrier.arrive $0xFFFF;
	s2 =	simm.s32 @!p0 $0x1C02  }
0xd2: {  	[timem:s3], [sflag:s2] =	dma.local @!p0 [hbm:s0], s1  }
0xd3: {  	s0 =	simm.s32 @!p0 $0x2  }
0xd4: {  	_ =	swait.ge @!p0 [sflag:s0], s1  }
0xd5: {  	s1 =	ssub.s32 @!p0 $0x0, s1;
	[sflag:s0] =	ssyncset.done @!p0 $0x0  }
0xd6: {  	[sflag:s0] =	ssyncadd.s32 @!p0 s1  }
0xd7: {  	[bflag:$0x3] =	sbarrier.arrive $0xFFFF  }
0xd8: {  	_ =	shalt  }

</sc_bundles>
